<compile_context>
chip_gen: v7x
topology: tpu7x:2x2x1
jax: 0.10.2.dev20260603
libtpu: 0.0.44.dev20260713+nightly
codegen_flags: <defaults>
</compile_context>

<pallas_src>
import functools

import jax
import jax.numpy as jnp
from jax import lax
from jax.experimental import pallas as pl
from jax.experimental.pallas import tpu as pltpu
from jax.experimental.pallas import tpu_sc as plsc

_H = 128
_W = 128
_B = 2
_COLS = _W * _B
_LPT = 16
_NT = _COLS // _LPT
_NW = _H // 32
_BIG = 1 << 20


_HUGE = jnp.inf


def _best_kernel(radar_ref, mde_ref, enc_ref, rt, mt, et):
    C, H = radar_ref.shape
    unroll = 8
    rt[...] = radar_ref[...].T
    mde_in = mde_ref[...]
    mt[...] = jnp.where(mde_in != 0.0, mde_in, _HUGE).T
    mdem = mt[...]
    has_mde = jnp.any(mdem != _HUGE, axis=0, keepdims=True)
    posi = lax.broadcasted_iota(jnp.int32, (H, C), 0)

    def step(i, carry):
        for k in range(unroll):
            y = i * unroll + k
            d_r = rt[pl.ds(y, 1), :]
            diffs = jnp.abs(mdem - d_r)
            m = jnp.min(diffs, axis=0, keepdims=True)
            bidx = jnp.min(
                jnp.where(diffs == m, posi, H), axis=0, keepdims=True
            )
            best = jnp.where(has_mde, bidx, y)
            et[pl.ds(y, 1), :] = jnp.where(d_r != 0.0, best, -1)
        return carry

    lax.fori_loop(0, H // unroll, step, 0)
    enc_ref[...] = et[...].T


def _lsb_exp(t):
    f = t.astype(jnp.float32)
    return ((lax.bitcast_convert_type(f, jnp.int32) >> 23) & 0xFF) - 127


def _sc_resolve_kernel(enc_hbm, vals_hbm, out_hbm, enc_v, vals_v, occ_t):
    wid = lax.axis_index("s") * 2 + lax.axis_index("c")

    @pl.when(wid < _NT)
    def _():
        base = wid * _LPT
        pltpu.sync_copy(enc_hbm.at[pl.ds(base, _LPT)], enc_v)
        pltpu.sync_copy(vals_hbm.at[pl.ds(base, _LPT)], vals_v)
        lanes = lax.broadcasted_iota(jnp.int32, (16,), 0)
        zero16 = jnp.zeros((16,), jnp.int32)
        ones = jnp.full((16,), 1, jnp.int32)
        full = jnp.full((16,), -1, jnp.int32)
        fzero = jnp.zeros((16,), jnp.float32)
        for c in range(_LPT):
            for k in range(_H // 16):
                occ_t[c, pl.ds(16 * k, 16)] = fzero

        def lsr(x, k):
            return lax.shift_right_logical(x, jnp.int32(k))

        def step(y, fw):
            y16 = zero16 + y
            b = plsc.load_gather(enc_v, [lanes, y16])
            vals = plsc.load_gather(vals_v, [lanes, y16])
            wb = b >> 5
            rb = b & 31
            hb = ones << rb
            himask = 0 - hb
            lomask = hb | (hb - 1)
            vu, wu = ones, jnp.full((16,), _NW, jnp.int32)
            for i in range(_NW - 1, -1, -1):
                sel = jnp.where(wb < i, full, jnp.where(wb == i, himask, 0))
                mi = fw[i] & sel
                nz = mi != 0
                vu = jnp.where(nz, mi, vu)
                wu = jnp.where(nz, i, wu)
            fu = wu * 32 + _lsb_exp(vu & (0 - vu))
            vd, wd = ones, jnp.full((16,), -_NW, jnp.int32)
            for i in range(_NW):
                sel = jnp.where(wb > i, full, jnp.where(wb == i, lomask, 0))
                mi = fw[i] & sel
                nz = mi != 0
                vd = jnp.where(nz, mi, vd)
                wd = jnp.where(nz, i, wd)
            s = vd | lsr(vd, 1)
            s = s | lsr(s, 2)
            s = s | lsr(s, 4)
            s = s | lsr(s, 8)
            s = s | lsr(s, 16)
            fd = wd * 32 + _lsb_exp(s ^ lsr(s, 1))
            du = jnp.where(fu < _H, fu - b, _BIG)
            dd = jnp.where(fd >= 0, b - fd, _BIG)
            final = jnp.clip(jnp.where(du <= dd, fu, fd), 0, _H - 1)
            write = b >= 0
            plsc.store_scatter(occ_t, [lanes, final], vals, mask=write)
            wf = final >> 5
            clearbit = jnp.where(write, ones << (final & 31), zero16)
            return tuple(
                jnp.where(wf == i, fw[i] & ~clearbit, fw[i])
                for i in range(_NW)
            )

        lax.fori_loop(0, _H, step, (full,) * _NW)
        pltpu.sync_copy(occ_t, out_hbm.at[pl.ds(base, _LPT)])


@functools.lru_cache(maxsize=None)
def _sc_resolve():
    return pl.kernel(
        _sc_resolve_kernel,
        out_type=jax.ShapeDtypeStruct((_COLS, _H), jnp.float32),
        mesh=plsc.VectorSubcoreMesh(core_axis_name="c", subcore_axis_name="s"),
        compiler_params=pltpu.CompilerParams(needs_layout_passes=False),
        scratch_types=[
            pltpu.VMEM((_LPT, _H), jnp.int32),
            pltpu.VMEM((_LPT, _H), jnp.float32),
            pltpu.VMEM((_LPT, _H), jnp.float32),
        ],
    )


def kernel(radar_patches, mde_out_patches):
    W, B, C, H, _ = radar_patches.shape
    radar_wbh = radar_patches[:, :, 0, :, 0]
    radar_cols = radar_wbh.reshape(W * B, H)
    mde_cols = mde_out_patches[:, :, 0, :, 0].reshape(W * B, H)

    enc = pl.pallas_call(
        _best_kernel,
        out_shape=jax.ShapeDtypeStruct((W * B, H), jnp.int32),
        scratch_shapes=[
            pltpu.VMEM((H, W * B), jnp.float32),
            pltpu.VMEM((H, W * B), jnp.float32),
            pltpu.VMEM((H, W * B), jnp.int32),
        ],
    )(radar_cols, mde_cols)

    occ = _sc_resolve()(enc, radar_cols)
    cols_t = jnp.transpose(occ.reshape(W, B, H), (1, 2, 0))
    if C == 1:
        return cols_t[:, None, :, :]
    radar_gt = jnp.zeros((B, C, H, W), dtype=jnp.float32)
    return radar_gt.at[:, 0, :, :].set(cols_t)

# --- scband reference (transcript-rebuilt; emitter-appended) ---
"""Pipeline reference for scband-radar-dc-12300786336443 (READ-ONLY COPY).

The authoritative reference and input builder live on the scoring server;
editing this copy changes nothing except your own understanding.
"""

import jax, jax.numpy as jnp
import numpy as np
from jax import lax


def _offsets(H):
    offs = np.zeros(2 * H - 1, dtype=np.int32)
    for off in range(1, H):
        offs[2 * off - 1] = off
        offs[2 * off] = -off
    return jnp.asarray(offs)


def _scatter_column(radar_col, mde_col, offsets):
    """Traceable equivalent of one (w, b) column of the original sequential
    scatter with collision resolution. Returns the final occupancy column."""
    H = radar_col.shape[0]
    mde_valid = mde_col != 0
    has_mde = jnp.any(mde_valid)

    def body(y, occ):
        d_r = radar_col[y]
        diffs = jnp.where(mde_valid, jnp.abs(mde_col - d_r), jnp.inf)
        best = jnp.where(has_mde, jnp.argmin(diffs).astype(jnp.int32), y)
        pos = best + offsets
        in_range = (pos >= 0) & (pos < H)
        posc = jnp.clip(pos, 0, H - 1)
        empty = in_range & (occ[posc] == 0)
        first = jnp.argmax(empty)
        final = jnp.where(jnp.any(empty), posc[first], best)
        new_occ = occ.at[final].set(d_r)
        return jnp.where(d_r != 0, new_occ, occ)

    return lax.fori_loop(0, H, body, jnp.zeros((H,), dtype=jnp.float32))


def setup_inputs(seed: int = 0):
    key = jax.random.key(seed)
    k1, k2 = jax.random.split(key)
    radar_patches = jax.random.uniform(k1, (128, 2, 1, 128, 1), dtype=jnp.float32)
    mde_out_patches = jax.random.uniform(k2, (128, 2, 1, 128, 1), dtype=jnp.float32)
    return {"radar_patches": radar_patches, "mde_out_patches": mde_out_patches}


def reference(radar_patches, mde_out_patches):
    W, B, C, H, _ = radar_patches.shape
    # compute_similarity (computed as in the original forward; not consumed by
    # create_radar_gt, kept for faithfulness)
    radar_flat = jnp.squeeze(radar_patches, -1)[:, :, 0, :]
    mde_flat = jnp.squeeze(mde_out_patches, -1)[:, :, 0, :]
    similarity_scores = -jnp.mean((radar_flat - mde_flat) ** 2, axis=2)
    _ = similarity_scores
    # create_radar_gt: each (w, b) column owns a disjoint occupancy slice of
    # radar_gt, so the sequential collision-resolving scatter is computed per
    # column and vmapped over (W, B).
    offsets = _offsets(H)
    cols = jax.vmap(jax.vmap(lambda r, m: _scatter_column(r, m, offsets)))(
        radar_flat, mde_flat
    )
    radar_gt = jnp.zeros((B, C, H, W), dtype=jnp.float32)
    radar_gt = radar_gt.at[:, 0, :, :].set(jnp.transpose(cols, (1, 2, 0)))
    return radar_gt

if __name__ == "__main__":
    import jax
    _d = setup_inputs()
    print(jax.jit(kernel)(*tuple(_d.values())))

</pallas_src>

<mosaic_0001>
#map = affine_map<(d0, d1) -> (0, 0)>
module attributes {stable_mosaic.version = 14 : i64} {
  func.func @_sc_resolve_kernel(%arg0: i32, %arg1: i32, %arg2: memref<256x128xi32, #tpu.memory_space<hbm>>, %arg3: memref<256x128xf32, #tpu.memory_space<hbm>>, %arg4: memref<256x128xf32, #tpu.memory_space<hbm>>, %arg5: memref<16x128xi32, #tpu.memory_space<vmem>>, %arg6: memref<16x128xf32, #tpu.memory_space<vmem>>, %arg7: memref<16x128xf32, #tpu.memory_space<vmem>>) attributes {dimension_semantics = [#tpu.dimension_semantics<core_parallel>, #tpu.dimension_semantics<subcore_parallel>], iteration_bounds = array<i64: 2, 16>, scalar_prefetch = 0 : i64, scratch_operands = 3 : i64, tpu.core_type = #tpu.core_type<sc_vector_subcore>, window_params = [{transform_indices = #map}, {transform_indices = #map}, {transform_indices = #map}]} {
    %mul3A = arith.constant 2 : i32
    %mul3A_0 = arith.muli %arg1, %mul3A : i32
    %add3A = arith.addi %mul3A_0, %arg0 : i32
    %lt3A = arith.constant 16 : i32
    %lt3A_1 = arith.cmpi slt, %add3A, %lt3A : i32
    %convert_element_type3A = arith.extui %lt3A_1 : i1 to i32
    %cond3A = arith.constant 0 : i32
    %cond3A_2 = arith.cmpi ne, %convert_element_type3A, %cond3A : i32
    scf.if %cond3A_2 {
      %mul3A_3 = arith.constant 16 : i32
      %mul3A_4 = arith.muli %add3A, %mul3A_3 : i32
      "tpu.region"() ({
        %run_scoped3A = tpu.sem_alloc : memref<!tpu.dma_semaphore, #tpu.memory_space<semaphore_mem>>
        %dma_start3A = arith.constant 0 : i32
        %dma_start3A_528 = tpu.memref_slice %arg2[%mul3A_4, %dma_start3A] : memref<256x128xi32, #tpu.memory_space<hbm>> -> memref<16x128xi32, #tpu.memory_space<hbm>>
        %dma_start3A_529 = arith.constant 0 : i32
        %dma_start3A_530 = tpu.memref_slice %arg2[%mul3A_4, %dma_start3A_529] : memref<256x128xi32, #tpu.memory_space<hbm>> -> memref<16x128xi32, #tpu.memory_space<hbm>>
        tpu.enqueue_dma source(%dma_start3A_530 : memref<16x128xi32, #tpu.memory_space<hbm>>) target(%arg5 : memref<16x128xi32, #tpu.memory_space<vmem>>) target_semaphore(%run_scoped3A : memref<!tpu.dma_semaphore, #tpu.memory_space<semaphore_mem>>)
        %dma_wait3A = arith.constant 0 : i32
        %dma_wait3A_531 = tpu.memref_slice %arg2[%mul3A_4, %dma_wait3A] : memref<256x128xi32, #tpu.memory_space<hbm>> -> memref<16x128xi32, #tpu.memory_space<hbm>>
        %dma_wait3A_532 = arith.constant 0 : i32
        %dma_wait3A_533 = tpu.memref_slice %arg2[%mul3A_4, %dma_wait3A_532] : memref<256x128xi32, #tpu.memory_space<hbm>> -> memref<16x128xi32, #tpu.memory_space<hbm>>
        tpu.wait_dma2 semaphore(%run_scoped3A : memref<!tpu.dma_semaphore, #tpu.memory_space<semaphore_mem>>) src(%dma_wait3A_533 : memref<16x128xi32, #tpu.memory_space<hbm>>) dst(%arg5 : memref<16x128xi32, #tpu.memory_space<vmem>>)
        tpu.yield
      }) : () -> ()
      "tpu.region"() ({
        %run_scoped3A = tpu.sem_alloc : memref<!tpu.dma_semaphore, #tpu.memory_space<semaphore_mem>>
        %dma_start3A = arith.constant 0 : i32
        %dma_start3A_528 = tpu.memref_slice %arg3[%mul3A_4, %dma_start3A] : memref<256x128xf32, #tpu.memory_space<hbm>> -> memref<16x128xf32, #tpu.memory_space<hbm>>
        %dma_start3A_529 = arith.constant 0 : i32
        %dma_start3A_530 = tpu.memref_slice %arg3[%mul3A_4, %dma_start3A_529] : memref<256x128xf32, #tpu.memory_space<hbm>> -> memref<16x128xf32, #tpu.memory_space<hbm>>
        tpu.enqueue_dma source(%dma_start3A_530 : memref<16x128xf32, #tpu.memory_space<hbm>>) target(%arg6 : memref<16x128xf32, #tpu.memory_space<vmem>>) target_semaphore(%run_scoped3A : memref<!tpu.dma_semaphore, #tpu.memory_space<semaphore_mem>>)
        %dma_wait3A = arith.constant 0 : i32
        %dma_wait3A_531 = tpu.memref_slice %arg3[%mul3A_4, %dma_wait3A] : memref<256x128xf32, #tpu.memory_space<hbm>> -> memref<16x128xf32, #tpu.memory_space<hbm>>
        %dma_wait3A_532 = arith.constant 0 : i32
        %dma_wait3A_533 = tpu.memref_slice %arg3[%mul3A_4, %dma_wait3A_532] : memref<256x128xf32, #tpu.memory_space<hbm>> -> memref<16x128xf32, #tpu.memory_space<hbm>>
        tpu.wait_dma2 semaphore(%run_scoped3A : memref<!tpu.dma_semaphore, #tpu.memory_space<semaphore_mem>>) src(%dma_wait3A_533 : memref<16x128xf32, #tpu.memory_space<hbm>>) dst(%arg6 : memref<16x128xf32, #tpu.memory_space<vmem>>)
        tpu.yield
      }) : () -> ()
      %iota3A = tpu.iota {dimensions = array<i32: 0>} : vector<16xi32>
      %broadcast_in_dim3A = arith.constant 0 : i32
      %broadcast_in_dim3A_5 = vector.broadcast %broadcast_in_dim3A : i32 to vector<16xi32>
      %broadcast_in_dim3A_6 = arith.constant 1 : i32
      %broadcast_in_dim3A_7 = vector.broadcast %broadcast_in_dim3A_6 : i32 to vector<16xi32>
      %broadcast_in_dim3A_8 = arith.constant -1 : i32
      %broadcast_in_dim3A_9 = vector.broadcast %broadcast_in_dim3A_8 : i32 to vector<16xi32>
      %broadcast_in_dim3A_10 = arith.constant 0.000000e+00 : f32
      %broadcast_in_dim3A_11 = vector.broadcast %broadcast_in_dim3A_10 : f32 to vector<16xf32>
      %swap3A = arith.constant 0 : i32
      %swap3A_12 = arith.index_cast %swap3A : i32 to index
      %swap3A_13 = arith.constant 0 : index
      %swap3A_14 = tpu.vector_load %arg7[%swap3A_12, %swap3A_13] {strides = array<i32>} : memref<16x128xf32, #tpu.memory_space<vmem>>, vector<16xf32>,
      tpu.vector_store %arg7[%swap3A_12, %swap3A_13], %broadcast_in_dim3A_11 {strides = array<i32>} : memref<16x128xf32, #tpu.memory_space<vmem>>, vector<16xf32>,
      %swap3A_15 = arith.constant 0 : i32
      %swap3A_16 = arith.index_cast %swap3A_15 : i32 to index
      %swap3A_17 = arith.constant 16 : index
      %swap3A_18 = tpu.vector_load %arg7[%swap3A_16, %swap3A_17] {strides = array<i32>} : memref<16x128xf32, #tpu.memory_space<vmem>>, vector<16xf32>,
      tpu.vector_store %arg7[%swap3A_16, %swap3A_17], %broadcast_in_dim3A_11 {strides = array<i32>} : memref<16x128xf32, #tpu.memory_space<vmem>>, vector<16xf32>,
      %swap3A_19 = arith.constant 0 : i32
      %swap3A_20 = arith.index_cast %swap3A_19 : i32 to index
      %swap3A_21 = arith.constant 32 : index
      %swap3A_22 = tpu.vector_load %arg7[%swap3A_20, %swap3A_21] {strides = array<i32>} : memref<16x128xf32, #tpu.memory_space<vmem>>, vector<16xf32>,
      tpu.vector_store %arg7[%swap3A_20, %swap3A_21], %broadcast_in_dim3A_11 {strides = array<i32>} : memref<16x128xf32, #tpu.memory_space<vmem>>, vector<16xf32>,
      %swap3A_23 = arith.constant 0 : i32
      %swap3A_24 = arith.index_cast %swap3A_23 : i32 to index
      %swap3A_25 = arith.constant 48 : index
      %swap3A_26 = tpu.vector_load %arg7[%swap3A_24, %swap3A_25] {strides = array<i32>} : memref<16x128xf32, #tpu.memory_space<vmem>>, vector<16xf32>,
      tpu.vector_store %arg7[%swap3A_24, %swap3A_25], %broadcast_in_dim3A_11 {strides = array<i32>} : memref<16x128xf32, #tpu.memory_space<vmem>>, vector<16xf32>,
      %swap3A_27 = arith.constant 0 : i32
      %swap3A_28 = arith.index_cast %swap3A_27 : i32 to index
      %swap3A_29 = arith.constant 64 : index
      %swap3A_30 = tpu.vector_load %arg7[%swap3A_28, %swap3A_29] {strides = array<i32>} : memref<16x128xf32, #tpu.memory_space<vmem>>, vector<16xf32>,
      tpu.vector_store %arg7[%swap3A_28, %swap3A_29], %broadcast_in_dim3A_11 {strides = array<i32>} : memref<16x128xf32, #tpu.memory_space<vmem>>, vector<16xf32>,
      %swap3A_31 = arith.constant 0 : i32
      %swap3A_32 = arith.index_cast %swap3A_31 : i32 to index
      %swap3A_33 = arith.constant 80 : index
      %swap3A_34 = tpu.vector_load %arg7[%swap3A_32, %swap3A_33] {strides = array<i32>} : memref<16x128xf32, #tpu.memory_space<vmem>>, vector<16xf32>,
      tpu.vector_store %arg7[%swap3A_32, %swap3A_33], %broadcast_in_dim3A_11 {strides = array<i32>} : memref<16x128xf32, #tpu.memory_space<vmem>>, vector<16xf32>,
      %swap3A_35 = arith.constant 0 : i32
      %swap3A_36 = arith.index_cast %swap3A_35 : i32 to index
      %swap3A_37 = arith.constant 96 : index
      %swap3A_38 = tpu.vector_load %arg7[%swap3A_36, %swap3A_37] {strides = array<i32>} : memref<16x128xf32, #tpu.memory_space<vmem>>, vector<16xf32>,
      tpu.vector_store %arg7[%swap3A_36, %swap3A_37], %broadcast_in_dim3A_11 {strides = array<i32>} : memref<16x128xf32, #tpu.memory_space<vmem>>, vector<16xf32>,
      %swap3A_39 = arith.constant 0 : i32
      %swap3A_40 = arith.index_cast %swap3A_39 : i32 to index
      %swap3A_41 = arith.constant 112 : index
      %swap3A_42 = tpu.vector_load %arg7[%swap3A_40, %swap3A_41] {strides = array<i32>} : memref<16x128xf32, #tpu.memory_space<vmem>>, vector<16xf32>,
      tpu.vector_store %arg7[%swap3A_40, %swap3A_41], %broadcast_in_dim3A_11 {strides = array<i32>} : memref<16x128xf32, #tpu.memory_space<vmem>>, vector<16xf32>,
      %swap3A_43 = arith.constant 1 : i32
      %swap3A_44 = arith.index_cast %swap3A_43 : i32 to index
      %swap3A_45 = arith.constant 0 : index
      %swap3A_46 = tpu.vector_load %arg7[%swap3A_44, %swap3A_45] {strides = array<i32>} : memref<16x128xf32, #tpu.memory_space<vmem>>, vector<16xf32>,
      tpu.vector_store %arg7[%swap3A_44, %swap3A_45], %broadcast_in_dim3A_11 {strides = array<i32>} : memref<16x128xf32, #tpu.memory_space<vmem>>, vector<16xf32>,
      %swap3A_47 = arith.constant 1 : i32
      %swap3A_48 = arith.index_cast %swap3A_47 : i32 to index
      %swap3A_49 = arith.constant 16 : index
      %swap3A_50 = tpu.vector_load %arg7[%swap3A_48, %swap3A_49] {strides = array<i32>} : memref<16x128xf32, #tpu.memory_space<vmem>>, vector<16xf32>,
      tpu.vector_store %arg7[%swap3A_48, %swap3A_49], %broadcast_in_dim3A_11 {strides = array<i32>} : memref<16x128xf32, #tpu.memory_space<vmem>>, vector<16xf32>,
      %swap3A_51 = arith.constant 1 : i32
      %swap3A_52 = arith.index_cast %swap3A_51 : i32 to index
      %swap3A_53 = arith.constant 32 : index
      %swap3A_54 = tpu.vector_load %arg7[%swap3A_52, %swap3A_53] {strides = array<i32>} : memref<16x128xf32, #tpu.memory_space<vmem>>, vector<16xf32>,
      tpu.vector_store %arg7[%swap3A_52, %swap3A_53], %broadcast_in_dim3A_11 {strides = array<i32>} : memref<16x128xf32, #tpu.memory_space<vmem>>, vector<16xf32>,
      %swap3A_55 = arith.constant 1 : i32
      %swap3A_56 = arith.index_cast %swap3A_55 : i32 to index
      %swap3A_57 = arith.constant 48 : index
      %swap3A_58 = tpu.vector_load %arg7[%swap3A_56, %swap3A_57] {strides = array<i32>} : memref<16x128xf32, #tpu.memory_space<vmem>>, vector<16xf32>,
      tpu.vector_store %arg7[%swap3A_56, %swap3A_57], %broadcast_in_dim3A_11 {strides = array<i32>} : memref<16x128xf32, #tpu.memory_space<vmem>>, vector<16xf32>,
      %swap3A_59 = arith.constant 1 : i32
      %swap3A_60 = arith.index_cast %swap3A_59 : i32 to index
      %swap3A_61 = arith.constant 64 : index
      %swap3A_62 = tpu.vector_load %arg7[%swap3A_60, %swap3A_61] {strides = array<i32>} : memref<16x128xf32, #tpu.memory_space<vmem>>, vector<16xf32>,
      tpu.vector_store %arg7[%swap3A_60, %swap3A_61], %broadcast_in_dim3A_11 {strides = array<i32>} : memref<16x128xf32, #tpu.memory_space<vmem>>, vector<16xf32>,
      %swap3A_63 = arith.constant 1 : i32
      %swap3A_64 = arith.index_cast %swap3A_63 : i32 to index
      %swap3A_65 = arith.constant 80 : index
      %swap3A_66 = tpu.vector_load %arg7[%swap3A_64, %swap3A_65] {strides = array<i32>} : memref<16x128xf32, #tpu.memory_space<vmem>>, vector<16xf32>,
      tpu.vector_store %arg7[%swap3A_64, %swap3A_65], %broadcast_in_dim3A_11 {strides = array<i32>} : memref<16x128xf32, #tpu.memory_space<vmem>>, vector<16xf32>,
      %swap3A_67 = arith.constant 1 : i32
      %swap3A_68 = arith.index_cast %swap3A_67 : i32 to index
      %swap3A_69 = arith.constant 96 : index
      %swap3A_70 = tpu.vector_load %arg7[%swap3A_68, %swap3A_69] {strides = array<i32>} : memref<16x128xf32, #tpu.memory_space<vmem>>, vector<16xf32>,
      tpu.vector_store %arg7[%swap3A_68, %swap3A_69], %broadcast_in_dim3A_11 {strides = array<i32>} : memref<16x128xf32, #tpu.memory_space<vmem>>, vector<16xf32>,
      %swap3A_71 = arith.constant 1 : i32
      %swap3A_72 = arith.index_cast %swap3A_71 : i32 to index
      %swap3A_73 = arith.constant 112 : index
      %swap3A_74 = tpu.vector_load %arg7[%swap3A_72, %swap3A_73] {strides = array<i32>} : memref<16x128xf32, #tpu.memory_space<vmem>>, vector<16xf32>,
      tpu.vector_store %arg7[%swap3A_72, %swap3A_73], %broadcast_in_dim3A_11 {strides = array<i32>} : memref<16x128xf32, #tpu.memory_space<vmem>>, vector<16xf32>,
      %swap3A_75 = arith.constant 2 : i32
      %swap3A_76 = arith.index_cast %swap3A_75 : i32 to index
      %swap3A_77 = arith.constant 0 : index
      %swap3A_78 = tpu.vector_load %arg7[%swap3A_76, %swap3A_77] {strides = array<i32>} : memref<16x128xf32, #tpu.memory_space<vmem>>, vector<16xf32>,
      tpu.vector_store %arg7[%swap3A_76, %swap3A_77], %broadcast_in_dim3A_11 {strides = array<i32>} : memref<16x128xf32, #tpu.memory_space<vmem>>, vector<16xf32>,
      %swap3A_79 = arith.constant 2 : i32
      %swap3A_80 = arith.index_cast %swap3A_79 : i32 to index
      %swap3A_81 = arith.constant 16 : index
      %swap3A_82 = tpu.vector_load %arg7[%swap3A_80, %swap3A_81] {strides = array<i32>} : memref<16x128xf32, #tpu.memory_space<vmem>>, vector<16xf32>,
      tpu.vector_store %arg7[%swap3A_80, %swap3A_81], %broadcast_in_dim3A_11 {strides = array<i32>} : memref<16x128xf32, #tpu.memory_space<vmem>>, vector<16xf32>,
      %swap3A_83 = arith.constant 2 : i32
      %swap3A_84 = arith.index_cast %swap3A_83 : i32 to index
      %swap3A_85 = arith.constant 32 : index
      %swap3A_86 = tpu.vector_load %arg7[%swap3A_84, %swap3A_85] {strides = array<i32>} : memref<16x128xf32, #tpu.memory_space<vmem>>, vector<16xf32>,
      tpu.vector_store %arg7[%swap3A_84, %swap3A_85], %broadcast_in_dim3A_11 {strides = array<i32>} : memref<16x128xf32, #tpu.memory_space<vmem>>, vector<16xf32>,
      %swap3A_87 = arith.constant 2 : i32
      %swap3A_88 = arith.index_cast %swap3A_87 : i32 to index
      %swap3A_89 = arith.constant 48 : index
      %swap3A_90 = tpu.vector_load %arg7[%swap3A_88, %swap3A_89] {strides = array<i32>} : memref<16x128xf32, #tpu.memory_space<vmem>>, vector<16xf32>,
      tpu.vector_store %arg7[%swap3A_88, %swap3A_89], %broadcast_in_dim3A_11 {strides = array<i32>} : memref<16x128xf32, #tpu.memory_space<vmem>>, vector<16xf32>,
      %swap3A_91 = arith.constant 2 : i32
      %swap3A_92 = arith.index_cast %swap3A_91 : i32 to index
      %swap3A_93 = arith.constant 64 : index
      %swap3A_94 = tpu.vector_load %arg7[%swap3A_92, %swap3A_93] {strides = array<i32>} : memref<16x128xf32, #tpu.memory_space<vmem>>, vector<16xf32>,
      tpu.vector_store %arg7[%swap3A_92, %swap3A_93], %broadcast_in_dim3A_11 {strides = array<i32>} : memref<16x128xf32, #tpu.memory_space<vmem>>, vector<16xf32>,
      %swap3A_95 = arith.constant 2 : i32
      %swap3A_96 = arith.index_cast %swap3A_95 : i32 to index
      %swap3A_97 = arith.constant 80 : index
      %swap3A_98 = tpu.vector_load %arg7[%swap3A_96, %swap3A_97] {strides = array<i32>} : memref<16x128xf32, #tpu.memory_space<vmem>>, vector<16xf32>,
      tpu.vector_store %arg7[%swap3A_96, %swap3A_97], %broadcast_in_dim3A_11 {strides = array<i32>} : memref<16x128xf32, #tpu.memory_space<vmem>>, vector<16xf32>,
      %swap3A_99 = arith.constant 2 : i32
      %swap3A_100 = arith.index_cast %swap3A_99 : i32 to index
      %swap3A_101 = arith.constant 96 : index
      %swap3A_102 = tpu.vector_load %arg7[%swap3A_100, %swap3A_101] {strides = array<i32>} : memref<16x128xf32, #tpu.memory_space<vmem>>, vector<16xf32>,
      tpu.vector_store %arg7[%swap3A_100, %swap3A_101], %broadcast_in_dim3A_11 {strides = array<i32>} : memref<16x128xf32, #tpu.memory_space<vmem>>, vector<16xf32>,
      %swap3A_103 = arith.constant 2 : i32
      %swap3A_104 = arith.index_cast %swap3A_103 : i32 to index
      %swap3A_105 = arith.constant 112 : index
      %swap3A_106 = tpu.vector_load %arg7[%swap3A_104, %swap3A_105] {strides = array<i32>} : memref<16x128xf32, #tpu.memory_space<vmem>>, vector<16xf32>,
      tpu.vector_store %arg7[%swap3A_104, %swap3A_105], %broadcast_in_dim3A_11 {strides = array<i32>} : memref<16x128xf32, #tpu.memory_space<vmem>>, vector<16xf32>,
      %swap3A_107 = arith.constant 3 : i32
      %swap3A_108 = arith.index_cast %swap3A_107 : i32 to index
      %swap3A_109 = arith.constant 0 : index
      %swap3A_110 = tpu.vector_load %arg7[%swap3A_108, %swap3A_109] {strides = array<i32>} : memref<16x128xf32, #tpu.memory_space<vmem>>, vector<16xf32>,
      tpu.vector_store %arg7[%swap3A_108, %swap3A_109], %broadcast_in_dim3A_11 {strides = array<i32>} : memref<16x128xf32, #tpu.memory_space<vmem>>, vector<16xf32>,
      %swap3A_111 = arith.constant 3 : i32
      %swap3A_112 = arith.index_cast %swap3A_111 : i32 to index
      %swap3A_113 = arith.constant 16 : index
      %swap3A_114 = tpu.vector_load %arg7[%swap3A_112, %swap3A_113] {strides = array<i32>} : memref<16x128xf32, #tpu.memory_space<vmem>>, vector<16xf32>,
      tpu.vector_store %arg7[%swap3A_112, %swap3A_113], %broadcast_in_dim3A_11 {strides = array<i32>} : memref<16x128xf32, #tpu.memory_space<vmem>>, vector<16xf32>,
      %swap3A_115 = arith.constant 3 : i32
      %swap3A_116 = arith.index_cast %swap3A_115 : i32 to index
      %swap3A_117 = arith.constant 32 : index
      %swap3A_118 = tpu.vector_load %arg7[%swap3A_116, %swap3A_117] {strides = array<i32>} : memref<16x128xf32, #tpu.memory_space<vmem>>, vector<16xf32>,
      tpu.vector_store %arg7[%swap3A_116, %swap3A_117], %broadcast_in_dim3A_11 {strides = array<i32>} : memref<16x128xf32, #tpu.memory_space<vmem>>, vector<16xf32>,
      %swap3A_119 = arith.constant 3 : i32
      %swap3A_120 = arith.index_cast %swap3A_119 : i32 to index
      %swap3A_121 = arith.constant 48 : index
      %swap3A_122 = tpu.vector_load %arg7[%swap3A_120, %swap3A_121] {strides = array<i32>} : memref<16x128xf32, #tpu.memory_space<vmem>>, vector<16xf32>,
      tpu.vector_store %arg7[%swap3A_120, %swap3A_121], %broadcast_in_dim3A_11 {strides = array<i32>} : memref<16x128xf32, #tpu.memory_space<vmem>>, vector<16xf32>,
      %swap3A_123 = arith.constant 3 : i32
      %swap3A_124 = arith.index_cast %swap3A_123 : i32 to index
      %swap3A_125 = arith.constant 64 : index
      %swap3A_126 = tpu.vector_load %arg7[%swap3A_124, %swap3A_125] {strides = array<i32>} : memref<16x128xf32, #tpu.memory_space<vmem>>, vector<16xf32>,
      tpu.vector_store %arg7[%swap3A_124, %swap3A_125], %broadcast_in_dim3A_11 {strides = array<i32>} : memref<16x128xf32, #tpu.memory_space<vmem>>, vector<16xf32>,
      %swap3A_127 = arith.constant 3 : i32
      %swap3A_128 = arith.index_cast %swap3A_127 : i32 to index
      %swap3A_129 = arith.constant 80 : index
      %swap3A_130 = tpu.vector_load %arg7[%swap3A_128, %swap3A_129] {strides = array<i32>} : memref<16x128xf32, #tpu.memory_space<vmem>>, vector<16xf32>,
      tpu.vector_store %arg7[%swap3A_128, %swap3A_129], %broadcast_in_dim3A_11 {strides = array<i32>} : memref<16x128xf32, #tpu.memory_space<vmem>>, vector<16xf32>,
      %swap3A_131 = arith.constant 3 : i32
      %swap3A_132 = arith.index_cast %swap3A_131 : i32 to index
      %swap3A_133 = arith.constant 96 : index
      %swap3A_134 = tpu.vector_load %arg7[%swap3A_132, %swap3A_133] {strides = array<i32>} : memref<16x128xf32, #tpu.memory_space<vmem>>, vector<16xf32>,
      tpu.vector_store %arg7[%swap3A_132, %swap3A_133], %broadcast_in_dim3A_11 {strides = array<i32>} : memref<16x128xf32, #tpu.memory_space<vmem>>, vector<16xf32>,
      %swap3A_135 = arith.constant 3 : i32
      %swap3A_136 = arith.index_cast %swap3A_135 : i32 to index
      %swap3A_137 = arith.constant 112 : index
      %swap3A_138 = tpu.vector_load %arg7[%swap3A_136, %swap3A_137] {strides = array<i32>} : memref<16x128xf32, #tpu.memory_space<vmem>>, vector<16xf32>,
      tpu.vector_store %arg7[%swap3A_136, %swap3A_137], %broadcast_in_dim3A_11 {strides = array<i32>} : memref<16x128xf32, #tpu.memory_space<vmem>>, vector<16xf32>,
      %swap3A_139 = arith.constant 4 : i32
      %swap3A_140 = arith.index_cast %swap3A_139 : i32 to index
      %swap3A_141 = arith.constant 0 : index
      %swap3A_142 = tpu.vector_load %arg7[%swap3A_140, %swap3A_141] {strides = array<i32>} : memref<16x128xf32, #tpu.memory_space<vmem>>, vector<16xf32>,
      tpu.vector_store %arg7[%swap3A_140, %swap3A_141], %broadcast_in_dim3A_11 {strides = array<i32>} : memref<16x128xf32, #tpu.memory_space<vmem>>, vector<16xf32>,
      %swap3A_143 = arith.constant 4 : i32
      %swap3A_144 = arith.index_cast %swap3A_143 : i32 to index
      %swap3A_145 = arith.constant 16 : index
      %swap3A_146 = tpu.vector_load %arg7[%swap3A_144, %swap3A_145] {strides = array<i32>} : memref<16x128xf32, #tpu.memory_space<vmem>>, vector<16xf32>,
      tpu.vector_store %arg7[%swap3A_144, %swap3A_145], %broadcast_in_dim3A_11 {strides = array<i32>} : memref<16x128xf32, #tpu.memory_space<vmem>>, vector<16xf32>,
      %swap3A_147 = arith.constant 4 : i32
      %swap3A_148 = arith.index_cast %swap3A_147 : i32 to index
      %swap3A_149 = arith.constant 32 : index
      %swap3A_150 = tpu.vector_load %arg7[%swap3A_148, %swap3A_149] {strides = array<i32>} : memref<16x128xf32, #tpu.memory_space<vmem>>, vector<16xf32>,
      tpu.vector_store %arg7[%swap3A_148, %swap3A_149], %broadcast_in_dim3A_11 {strides = array<i32>} : memref<16x128xf32, #tpu.memory_space<vmem>>, vector<16xf32>,
      %swap3A_151 = arith.constant 4 : i32
      %swap3A_152 = arith.index_cast %swap3A_151 : i32 to index
      %swap3A_153 = arith.constant 48 : index
      %swap3A_154 = tpu.vector_load %arg7[%swap3A_152, %swap3A_153] {strides = array<i32>} : memref<16x128xf32, #tpu.memory_space<vmem>>, vector<16xf32>,
      tpu.vector_store %arg7[%swap3A_152, %swap3A_153], %broadcast_in_dim3A_11 {strides = array<i32>} : memref<16x128xf32, #tpu.memory_space<vmem>>, vector<16xf32>,
      %swap3A_155 = arith.constant 4 : i32
      %swap3A_156 = arith.index_cast %swap3A_155 : i32 to index
      %swap3A_157 = arith.constant 64 : index
      %swap3A_158 = tpu.vector_load %arg7[%swap3A_156, %swap3A_157] {strides = array<i32>} : memref<16x128xf32, #tpu.memory_space<vmem>>, vector<16xf32>,
      tpu.vector_store %arg7[%swap3A_156, %swap3A_157], %broadcast_in_dim3A_11 {strides = array<i32>} : memref<16x128xf32, #tpu.memory_space<vmem>>, vector<16xf32>,
      %swap3A_159 = arith.constant 4 : i32
      %swap3A_160 = arith.index_cast %swap3A_159 : i32 to index
      %swap3A_161 = arith.constant 80 : index
      %swap3A_162 = tpu.vector_load %arg7[%swap3A_160, %swap3A_161] {strides = array<i32>} : memref<16x128xf32, #tpu.memory_space<vmem>>, vector<16xf32>,
      tpu.vector_store %arg7[%swap3A_160, %swap3A_161], %broadcast_in_dim3A_11 {strides = array<i32>} : memref<16x128xf32, #tpu.memory_space<vmem>>, vector<16xf32>,
      %swap3A_163 = arith.constant 4 : i32
      %swap3A_164 = arith.index_cast %swap3A_163 : i32 to index
      %swap3A_165 = arith.constant 96 : index
      %swap3A_166 = tpu.vector_load %arg7[%swap3A_164, %swap3A_165] {strides = array<i32>} : memref<16x128xf32, #tpu.memory_space<vmem>>, vector<16xf32>,
      tpu.vector_store %arg7[%swap3A_164, %swap3A_165], %broadcast_in_dim3A_11 {strides = array<i32>} : memref<16x128xf32, #tpu.memory_space<vmem>>, vector<16xf32>,
      %swap3A_167 = arith.constant 4 : i32
      %swap3A_168 = arith.index_cast %swap3A_167 : i32 to index
      %swap3A_169 = arith.constant 112 : index
      %swap3A_170 = tpu.vector_load %arg7[%swap3A_168, %swap3A_169] {strides = array<i32>} : memref<16x128xf32, #tpu.memory_space<vmem>>, vector<16xf32>,
      tpu.vector_store %arg7[%swap3A_168, %swap3A_169], %broadcast_in_dim3A_11 {strides = array<i32>} : memref<16x128xf32, #tpu.memory_space<vmem>>, vector<16xf32>,
      %swap3A_171 = arith.constant 5 : i32
      %swap3A_172 = arith.index_cast %swap3A_171 : i32 to index
      %swap3A_173 = arith.constant 0 : index
      %swap3A_174 = tpu.vector_load %arg7[%swap3A_172, %swap3A_173] {strides = array<i32>} : memref<16x128xf32, #tpu.memory_space<vmem>>, vector<16xf32>,
      tpu.vector_store %arg7[%swap3A_172, %swap3A_173], %broadcast_in_dim3A_11 {strides = array<i32>} : memref<16x128xf32, #tpu.memory_space<vmem>>, vector<16xf32>,
      %swap3A_175 = arith.constant 5 : i32
      %swap3A_176 = arith.index_cast %swap3A_175 : i32 to index
      %swap3A_177 = arith.constant 16 : index
      %swap3A_178 = tpu.vector_load %arg7[%swap3A_176, %swap3A_177] {strides = array<i32>} : memref<16x128xf32, #tpu.memory_space<vmem>>, vector<16xf32>,
      tpu.vector_store %arg7[%swap3A_176, %swap3A_177], %broadcast_in_dim3A_11 {strides = array<i32>} : memref<16x128xf32, #tpu.memory_space<vmem>>, vector<16xf32>,
      %swap3A_179 = arith.constant 5 : i32
      %swap3A_180 = arith.index_cast %swap3A_179 : i32 to index
      %swap3A_181 = arith.constant 32 : index
      %swap3A_182 = tpu.vector_load %arg7[%swap3A_180, %swap3A_181] {strides = array<i32>} : memref<16x128xf32, #tpu.memory_space<vmem>>, vector<16xf32>,
      tpu.vector_store %arg7[%swap3A_180, %swap3A_181], %broadcast_in_dim3A_11 {strides = array<i32>} : memref<16x128xf32, #tpu.memory_space<vmem>>, vector<16xf32>,
      %swap3A_183 = arith.constant 5 : i32
      %swap3A_184 = arith.index_cast %swap3A_183 : i32 to index
      %swap3A_185 = arith.constant 48 : index
      %swap3A_186 = tpu.vector_load %arg7[%swap3A_184, %swap3A_185] {strides = array<i32>} : memref<16x128xf32, #tpu.memory_space<vmem>>, vector<16xf32>,
      tpu.vector_store %arg7[%swap3A_184, %swap3A_185], %broadcast_in_dim3A_11 {strides = array<i32>} : memref<16x128xf32, #tpu.memory_space<vmem>>, vector<16xf32>,
      %swap3A_187 = arith.constant 5 : i32
      %swap3A_188 = arith.index_cast %swap3A_187 : i32 to index
      %swap3A_189 = arith.constant 64 : index
      %swap3A_190 = tpu.vector_load %arg7[%swap3A_188, %swap3A_189] {strides = array<i32>} : memref<16x128xf32, #tpu.memory_space<vmem>>, vector<16xf32>,
      tpu.vector_store %arg7[%swap3A_188, %swap3A_189], %broadcast_in_dim3A_11 {strides = array<i32>} : memref<16x128xf32, #tpu.memory_space<vmem>>, vector<16xf32>,
      %swap3A_191 = arith.constant 5 : i32
      %swap3A_192 = arith.index_cast %swap3A_191 : i32 to index
      %swap3A_193 = arith.constant 80 : index
      %swap3A_194 = tpu.vector_load %arg7[%swap3A_192, %swap3A_193] {strides = array<i32>} : memref<16x128xf32, #tpu.memory_space<vmem>>, vector<16xf32>,
      tpu.vector_store %arg7[%swap3A_192, %swap3A_193], %broadcast_in_dim3A_11 {strides = array<i32>} : memref<16x128xf32, #tpu.memory_space<vmem>>, vector<16xf32>,
      %swap3A_195 = arith.constant 5 : i32
      %swap3A_196 = arith.index_cast %swap3A_195 : i32 to index
      %swap3A_197 = arith.constant 96 : index
      %swap3A_198 = tpu.vector_load %arg7[%swap3A_196, %swap3A_197] {strides = array<i32>} : memref<16x128xf32, #tpu.memory_space<vmem>>, vector<16xf32>,
      tpu.vector_store %arg7[%swap3A_196, %swap3A_197], %broadcast_in_dim3A_11 {strides = array<i32>} : memref<16x128xf32, #tpu.memory_space<vmem>>, vector<16xf32>,
      %swap3A_199 = arith.constant 5 : i32
      %swap3A_200 = arith.index_cast %swap3A_199 : i32 to index
      %swap3A_201 = arith.constant 112 : index
      %swap3A_202 = tpu.vector_load %arg7[%swap3A_200, %swap3A_201] {strides = array<i32>} : memref<16x128xf32, #tpu.memory_space<vmem>>, vector<16xf32>,
      tpu.vector_store %arg7[%swap3A_200, %swap3A_201], %broadcast_in_dim3A_11 {strides = array<i32>} : memref<16x128xf32, #tpu.memory_space<vmem>>, vector<16xf32>,
      %swap3A_203 = arith.constant 6 : i32
      %swap3A_204 = arith.index_cast %swap3A_203 : i32 to index
      %swap3A_205 = arith.constant 0 : index
      %swap3A_206 = tpu.vector_load %arg7[%swap3A_204, %swap3A_205] {strides = array<i32>} : memref<16x128xf32, #tpu.memory_space<vmem>>, vector<16xf32>,
      tpu.vector_store %arg7[%swap3A_204, %swap3A_205], %broadcast_in_dim3A_11 {strides = array<i32>} : memref<16x128xf32, #tpu.memory_space<vmem>>, vector<16xf32>,
      %swap3A_207 = arith.constant 6 : i32
      %swap3A_208 = arith.index_cast %swap3A_207 : i32 to index
      %swap3A_209 = arith.constant 16 : index
      %swap3A_210 = tpu.vector_load %arg7[%swap3A_208, %swap3A_209] {strides = array<i32>} : memref<16x128xf32, #tpu.memory_space<vmem>>, vector<16xf32>,
      tpu.vector_store %arg7[%swap3A_208, %swap3A_209], %broadcast_in_dim3A_11 {strides = array<i32>} : memref<16x128xf32, #tpu.memory_space<vmem>>, vector<16xf32>,
      %swap3A_211 = arith.constant 6 : i32
      %swap3A_212 = arith.index_cast %swap3A_211 : i32 to index
      %swap3A_213 = arith.constant 32 : index
      %swap3A_214 = tpu.vector_load %arg7[%swap3A_212, %swap3A_213] {strides = array<i32>} : memref<16x128xf32, #tpu.memory_space<vmem>>, vector<16xf32>,
      tpu.vector_store %arg7[%swap3A_212, %swap3A_213], %broadcast_in_dim3A_11 {strides = array<i32>} : memref<16x128xf32, #tpu.memory_space<vmem>>, vector<16xf32>,
      %swap3A_215 = arith.constant 6 : i32
      %swap3A_216 = arith.index_cast %swap3A_215 : i32 to index
      %swap3A_217 = arith.constant 48 : index
      %swap3A_218 = tpu.vector_load %arg7[%swap3A_216, %swap3A_217] {strides = array<i32>} : memref<16x128xf32, #tpu.memory_space<vmem>>, vector<16xf32>,
      tpu.vector_store %arg7[%swap3A_216, %swap3A_217], %broadcast_in_dim3A_11 {strides = array<i32>} : memref<16x128xf32, #tpu.memory_space<vmem>>, vector<16xf32>,
      %swap3A_219 = arith.constant 6 : i32
      %swap3A_220 = arith.index_cast %swap3A_219 : i32 to index
      %swap3A_221 = arith.constant 64 : index
      %swap3A_222 = tpu.vector_load %arg7[%swap3A_220, %swap3A_221] {strides = array<i32>} : memref<16x128xf32, #tpu.memory_space<vmem>>, vector<16xf32>,
      tpu.vector_store %arg7[%swap3A_220, %swap3A_221], %broadcast_in_dim3A_11 {strides = array<i32>} : memref<16x128xf32, #tpu.memory_space<vmem>>, vector<16xf32>,
      %swap3A_223 = arith.constant 6 : i32
      %swap3A_224 = arith.index_cast %swap3A_223 : i32 to index
      %swap3A_225 = arith.constant 80 : index
      %swap3A_226 = tpu.vector_load %arg7[%swap3A_224, %swap3A_225] {strides = array<i32>} : memref<16x128xf32, #tpu.memory_space<vmem>>, vector<16xf32>,
      tpu.vector_store %arg7[%swap3A_224, %swap3A_225], %broadcast_in_dim3A_11 {strides = array<i32>} : memref<16x128xf32, #tpu.memory_space<vmem>>, vector<16xf32>,
      %swap3A_227 = arith.constant 6 : i32
      %swap3A_228 = arith.index_cast %swap3A_227 : i32 to index
      %swap3A_229 = arith.constant 96 : index
      %swap3A_230 = tpu.vector_load %arg7[%swap3A_228, %swap3A_229] {strides = array<i32>} : memref<16x128xf32, #tpu.memory_space<vmem>>, vector<16xf32>,
      tpu.vector_store %arg7[%swap3A_228, %swap3A_229], %broadcast_in_dim3A_11 {strides = array<i32>} : memref<16x128xf32, #tpu.memory_space<vmem>>, vector<16xf32>,
      %swap3A_231 = arith.constant 6 : i32
      %swap3A_232 = arith.index_cast %swap3A_231 : i32 to index
      %swap3A_233 = arith.constant 112 : index
      %swap3A_234 = tpu.vector_load %arg7[%swap3A_232, %swap3A_233] {strides = array<i32>} : memref<16x128xf32, #tpu.memory_space<vmem>>, vector<16xf32>,
      tpu.vector_store %arg7[%swap3A_232, %swap3A_233], %broadcast_in_dim3A_11 {strides = array<i32>} : memref<16x128xf32, #tpu.memory_space<vmem>>, vector<16xf32>,
      %swap3A_235 = arith.constant 7 : i32
      %swap3A_236 = arith.index_cast %swap3A_235 : i32 to index
      %swap3A_237 = arith.constant 0 : index
      %swap3A_238 = tpu.vector_load %arg7[%swap3A_236, %swap3A_237] {strides = array<i32>} : memref<16x128xf32, #tpu.memory_space<vmem>>, vector<16xf32>,
      tpu.vector_store %arg7[%swap3A_236, %swap3A_237], %broadcast_in_dim3A_11 {strides = array<i32>} : memref<16x128xf32, #tpu.memory_space<vmem>>, vector<16xf32>,
      %swap3A_239 = arith.constant 7 : i32
      %swap3A_240 = arith.index_cast %swap3A_239 : i32 to index
      %swap3A_241 = arith.constant 16 : index
      %swap3A_242 = tpu.vector_load %arg7[%swap3A_240, %swap3A_241] {strides = array<i32>} : memref<16x128xf32, #tpu.memory_space<vmem>>, vector<16xf32>,
      tpu.vector_store %arg7[%swap3A_240, %swap3A_241], %broadcast_in_dim3A_11 {strides = array<i32>} : memref<16x128xf32, #tpu.memory_space<vmem>>, vector<16xf32>,
      %swap3A_243 = arith.constant 7 : i32
      %swap3A_244 = arith.index_cast %swap3A_243 : i32 to index
      %swap3A_245 = arith.constant 32 : index
      %swap3A_246 = tpu.vector_load %arg7[%swap3A_244, %swap3A_245] {strides = array<i32>} : memref<16x128xf32, #tpu.memory_space<vmem>>, vector<16xf32>,
      tpu.vector_store %arg7[%swap3A_244, %swap3A_245], %broadcast_in_dim3A_11 {strides = array<i32>} : memref<16x128xf32, #tpu.memory_space<vmem>>, vector<16xf32>,
      %swap3A_247 = arith.constant 7 : i32
      %swap3A_248 = arith.index_cast %swap3A_247 : i32 to index
      %swap3A_249 = arith.constant 48 : index
      %swap3A_250 = tpu.vector_load %arg7[%swap3A_248, %swap3A_249] {strides = array<i32>} : memref<16x128xf32, #tpu.memory_space<vmem>>, vector<16xf32>,
      tpu.vector_store %arg7[%swap3A_248, %swap3A_249], %broadcast_in_dim3A_11 {strides = array<i32>} : memref<16x128xf32, #tpu.memory_space<vmem>>, vector<16xf32>,
      %swap3A_251 = arith.constant 7 : i32
      %swap3A_252 = arith.index_cast %swap3A_251 : i32 to index
      %swap3A_253 = arith.constant 64 : index
      %swap3A_254 = tpu.vector_load %arg7[%swap3A_252, %swap3A_253] {strides = array<i32>} : memref<16x128xf32, #tpu.memory_space<vmem>>, vector<16xf32>,
      tpu.vector_store %arg7[%swap3A_252, %swap3A_253], %broadcast_in_dim3A_11 {strides = array<i32>} : memref<16x128xf32, #tpu.memory_space<vmem>>, vector<16xf32>,
      %swap3A_255 = arith.constant 7 : i32
      %swap3A_256 = arith.index_cast %swap3A_255 : i32 to index
      %swap3A_257 = arith.constant 80 : index
      %swap3A_258 = tpu.vector_load %arg7[%swap3A_256, %swap3A_257] {strides = array<i32>} : memref<16x128xf32, #tpu.memory_space<vmem>>, vector<16xf32>,
      tpu.vector_store %arg7[%swap3A_256, %swap3A_257], %broadcast_in_dim3A_11 {strides = array<i32>} : memref<16x128xf32, #tpu.memory_space<vmem>>, vector<16xf32>,
      %swap3A_259 = arith.constant 7 : i32
      %swap3A_260 = arith.index_cast %swap3A_259 : i32 to index
      %swap3A_261 = arith.constant 96 : index
      %swap3A_262 = tpu.vector_load %arg7[%swap3A_260, %swap3A_261] {strides = array<i32>} : memref<16x128xf32, #tpu.memory_space<vmem>>, vector<16xf32>,
      tpu.vector_store %arg7[%swap3A_260, %swap3A_261], %broadcast_in_dim3A_11 {strides = array<i32>} : memref<16x128xf32, #tpu.memory_space<vmem>>, vector<16xf32>,
      %swap3A_263 = arith.constant 7 : i32
      %swap3A_264 = arith.index_cast %swap3A_263 : i32 to index
      %swap3A_265 = arith.constant 112 : index
      %swap3A_266 = tpu.vector_load %arg7[%swap3A_264, %swap3A_265] {strides = array<i32>} : memref<16x128xf32, #tpu.memory_space<vmem>>, vector<16xf32>,
      tpu.vector_store %arg7[%swap3A_264, %swap3A_265], %broadcast_in_dim3A_11 {strides = array<i32>} : memref<16x128xf32, #tpu.memory_space<vmem>>, vector<16xf32>,
      %swap3A_267 = arith.constant 8 : i32
      %swap3A_268 = arith.index_cast %swap3A_267 : i32 to index
      %swap3A_269 = arith.constant 0 : index
      %swap3A_270 = tpu.vector_load %arg7[%swap3A_268, %swap3A_269] {strides = array<i32>} : memref<16x128xf32, #tpu.memory_space<vmem>>, vector<16xf32>,
      tpu.vector_store %arg7[%swap3A_268, %swap3A_269], %broadcast_in_dim3A_11 {strides = array<i32>} : memref<16x128xf32, #tpu.memory_space<vmem>>, vector<16xf32>,
      %swap3A_271 = arith.constant 8 : i32
      %swap3A_272 = arith.index_cast %swap3A_271 : i32 to index
      %swap3A_273 = arith.constant 16 : index
      %swap3A_274 = tpu.vector_load %arg7[%swap3A_272, %swap3A_273] {strides = array<i32>} : memref<16x128xf32, #tpu.memory_space<vmem>>, vector<16xf32>,
      tpu.vector_store %arg7[%swap3A_272, %swap3A_273], %broadcast_in_dim3A_11 {strides = array<i32>} : memref<16x128xf32, #tpu.memory_space<vmem>>, vector<16xf32>,
      %swap3A_275 = arith.constant 8 : i32
      %swap3A_276 = arith.index_cast %swap3A_275 : i32 to index
      %swap3A_277 = arith.constant 32 : index
      %swap3A_278 = tpu.vector_load %arg7[%swap3A_276, %swap3A_277] {strides = array<i32>} : memref<16x128xf32, #tpu.memory_space<vmem>>, vector<16xf32>,
      tpu.vector_store %arg7[%swap3A_276, %swap3A_277], %broadcast_in_dim3A_11 {strides = array<i32>} : memref<16x128xf32, #tpu.memory_space<vmem>>, vector<16xf32>,
      %swap3A_279 = arith.constant 8 : i32
      %swap3A_280 = arith.index_cast %swap3A_279 : i32 to index
      %swap3A_281 = arith.constant 48 : index
      %swap3A_282 = tpu.vector_load %arg7[%swap3A_280, %swap3A_281] {strides = array<i32>} : memref<16x128xf32, #tpu.memory_space<vmem>>, vector<16xf32>,
      tpu.vector_store %arg7[%swap3A_280, %swap3A_281], %broadcast_in_dim3A_11 {strides = array<i32>} : memref<16x128xf32, #tpu.memory_space<vmem>>, vector<16xf32>,
      %swap3A_283 = arith.constant 8 : i32
      %swap3A_284 = arith.index_cast %swap3A_283 : i32 to index
      %swap3A_285 = arith.constant 64 : index
      %swap3A_286 = tpu.vector_load %arg7[%swap3A_284, %swap3A_285] {strides = array<i32>} : memref<16x128xf32, #tpu.memory_space<vmem>>, vector<16xf32>,
      tpu.vector_store %arg7[%swap3A_284, %swap3A_285], %broadcast_in_dim3A_11 {strides = array<i32>} : memref<16x128xf32, #tpu.memory_space<vmem>>, vector<16xf32>,
      %swap3A_287 = arith.constant 8 : i32
      %swap3A_288 = arith.index_cast %swap3A_287 : i32 to index
      %swap3A_289 = arith.constant 80 : index
      %swap3A_290 = tpu.vector_load %arg7[%swap3A_288, %swap3A_289] {strides = array<i32>} : memref<16x128xf32, #tpu.memory_space<vmem>>, vector<16xf32>,
      tpu.vector_store %arg7[%swap3A_288, %swap3A_289], %broadcast_in_dim3A_11 {strides = array<i32>} : memref<16x128xf32, #tpu.memory_space<vmem>>, vector<16xf32>,
      %swap3A_291 = arith.constant 8 : i32
      %swap3A_292 = arith.index_cast %swap3A_291 : i32 to index
      %swap3A_293 = arith.constant 96 : index
      %swap3A_294 = tpu.vector_load %arg7[%swap3A_292, %swap3A_293] {strides = array<i32>} : memref<16x128xf32, #tpu.memory_space<vmem>>, vector<16xf32>,
      tpu.vector_store %arg7[%swap3A_292, %swap3A_293], %broadcast_in_dim3A_11 {strides = array<i32>} : memref<16x128xf32, #tpu.memory_space<vmem>>, vector<16xf32>,
      %swap3A_295 = arith.constant 8 : i32
      %swap3A_296 = arith.index_cast %swap3A_295 : i32 to index
      %swap3A_297 = arith.constant 112 : index
      %swap3A_298 = tpu.vector_load %arg7[%swap3A_296, %swap3A_297] {strides = array<i32>} : memref<16x128xf32, #tpu.memory_space<vmem>>, vector<16xf32>,
      tpu.vector_store %arg7[%swap3A_296, %swap3A_297], %broadcast_in_dim3A_11 {strides = array<i32>} : memref<16x128xf32, #tpu.memory_space<vmem>>, vector<16xf32>,
      %swap3A_299 = arith.constant 9 : i32
      %swap3A_300 = arith.index_cast %swap3A_299 : i32 to index
      %swap3A_301 = arith.constant 0 : index
      %swap3A_302 = tpu.vector_load %arg7[%swap3A_300, %swap3A_301] {strides = array<i32>} : memref<16x128xf32, #tpu.memory_space<vmem>>, vector<16xf32>,
      tpu.vector_store %arg7[%swap3A_300, %swap3A_301], %broadcast_in_dim3A_11 {strides = array<i32>} : memref<16x128xf32, #tpu.memory_space<vmem>>, vector<16xf32>,
      %swap3A_303 = arith.constant 9 : i32
      %swap3A_304 = arith.index_cast %swap3A_303 : i32 to index
      %swap3A_305 = arith.constant 16 : index
      %swap3A_306 = tpu.vector_load %arg7[%swap3A_304, %swap3A_305] {strides = array<i32>} : memref<16x128xf32, #tpu.memory_space<vmem>>, vector<16xf32>,
      tpu.vector_store %arg7[%swap3A_304, %swap3A_305], %broadcast_in_dim3A_11 {strides = array<i32>} : memref<16x128xf32, #tpu.memory_space<vmem>>, vector<16xf32>,
      %swap3A_307 = arith.constant 9 : i32
      %swap3A_308 = arith.index_cast %swap3A_307 : i32 to index
      %swap3A_309 = arith.constant 32 : index
      %swap3A_310 = tpu.vector_load %arg7[%swap3A_308, %swap3A_309] {strides = array<i32>} : memref<16x128xf32, #tpu.memory_space<vmem>>, vector<16xf32>,
      tpu.vector_store %arg7[%swap3A_308, %swap3A_309], %broadcast_in_dim3A_11 {strides = array<i32>} : memref<16x128xf32, #tpu.memory_space<vmem>>, vector<16xf32>,
      %swap3A_311 = arith.constant 9 : i32
      %swap3A_312 = arith.index_cast %swap3A_311 : i32 to index
      %swap3A_313 = arith.constant 48 : index
      %swap3A_314 = tpu.vector_load %arg7[%swap3A_312, %swap3A_313] {strides = array<i32>} : memref<16x128xf32, #tpu.memory_space<vmem>>, vector<16xf32>,
      tpu.vector_store %arg7[%swap3A_312, %swap3A_313], %broadcast_in_dim3A_11 {strides = array<i32>} : memref<16x128xf32, #tpu.memory_space<vmem>>, vector<16xf32>,
      %swap3A_315 = arith.constant 9 : i32
      %swap3A_316 = arith.index_cast %swap3A_315 : i32 to index
      %swap3A_317 = arith.constant 64 : index
      %swap3A_318 = tpu.vector_load %arg7[%swap3A_316, %swap3A_317] {strides = array<i32>} : memref<16x128xf32, #tpu.memory_space<vmem>>, vector<16xf32>,
      tpu.vector_store %arg7[%swap3A_316, %swap3A_317], %broadcast_in_dim3A_11 {strides = array<i32>} : memref<16x128xf32, #tpu.memory_space<vmem>>, vector<16xf32>,
      %swap3A_319 = arith.constant 9 : i32
      %swap3A_320 = arith.index_cast %swap3A_319 : i32 to index
      %swap3A_321 = arith.constant 80 : index
      %swap3A_322 = tpu.vector_load %arg7[%swap3A_320, %swap3A_321] {strides = array<i32>} : memref<16x128xf32, #tpu.memory_space<vmem>>, vector<16xf32>,
      tpu.vector_store %arg7[%swap3A_320, %swap3A_321], %broadcast_in_dim3A_11 {strides = array<i32>} : memref<16x128xf32, #tpu.memory_space<vmem>>, vector<16xf32>,
      %swap3A_323 = arith.constant 9 : i32
      %swap3A_324 = arith.index_cast %swap3A_323 : i32 to index
      %swap3A_325 = arith.constant 96 : index
      %swap3A_326 = tpu.vector_load %arg7[%swap3A_324, %swap3A_325] {strides = array<i32>} : memref<16x128xf32, #tpu.memory_space<vmem>>, vector<16xf32>,
      tpu.vector_store %arg7[%swap3A_324, %swap3A_325], %broadcast_in_dim3A_11 {strides = array<i32>} : memref<16x128xf32, #tpu.memory_space<vmem>>, vector<16xf32>,
      %swap3A_327 = arith.constant 9 : i32
      %swap3A_328 = arith.index_cast %swap3A_327 : i32 to index
      %swap3A_329 = arith.constant 112 : index
      %swap3A_330 = tpu.vector_load %arg7[%swap3A_328, %swap3A_329] {strides = array<i32>} : memref<16x128xf32, #tpu.memory_space<vmem>>, vector<16xf32>,
      tpu.vector_store %arg7[%swap3A_328, %swap3A_329], %broadcast_in_dim3A_11 {strides = array<i32>} : memref<16x128xf32, #tpu.memory_space<vmem>>, vector<16xf32>,
      %swap3A_331 = arith.constant 10 : i32
      %swap3A_332 = arith.index_cast %swap3A_331 : i32 to index
      %swap3A_333 = arith.constant 0 : index
      %swap3A_334 = tpu.vector_load %arg7[%swap3A_332, %swap3A_333] {strides = array<i32>} : memref<16x128xf32, #tpu.memory_space<vmem>>, vector<16xf32>,
      tpu.vector_store %arg7[%swap3A_332, %swap3A_333], %broadcast_in_dim3A_11 {strides = array<i32>} : memref<16x128xf32, #tpu.memory_space<vmem>>, vector<16xf32>,
      %swap3A_335 = arith.constant 10 : i32
      %swap3A_336 = arith.index_cast %swap3A_335 : i32 to index
      %swap3A_337 = arith.constant 16 : index
      %swap3A_338 = tpu.vector_load %arg7[%swap3A_336, %swap3A_337] {strides = array<i32>} : memref<16x128xf32, #tpu.memory_space<vmem>>, vector<16xf32>,
      tpu.vector_store %arg7[%swap3A_336, %swap3A_337], %broadcast_in_dim3A_11 {strides = array<i32>} : memref<16x128xf32, #tpu.memory_space<vmem>>, vector<16xf32>,
      %swap3A_339 = arith.constant 10 : i32
      %swap3A_340 = arith.index_cast %swap3A_339 : i32 to index
      %swap3A_341 = arith.constant 32 : index
      %swap3A_342 = tpu.vector_load %arg7[%swap3A_340, %swap3A_341] {strides = array<i32>} : memref<16x128xf32, #tpu.memory_space<vmem>>, vector<16xf32>,
      tpu.vector_store %arg7[%swap3A_340, %swap3A_341], %broadcast_in_dim3A_11 {strides = array<i32>} : memref<16x128xf32, #tpu.memory_space<vmem>>, vector<16xf32>,
      %swap3A_343 = arith.constant 10 : i32
      %swap3A_344 = arith.index_cast %swap3A_343 : i32 to index
      %swap3A_345 = arith.constant 48 : index
      %swap3A_346 = tpu.vector_load %arg7[%swap3A_344, %swap3A_345] {strides = array<i32>} : memref<16x128xf32, #tpu.memory_space<vmem>>, vector<16xf32>,
      tpu.vector_store %arg7[%swap3A_344, %swap3A_345], %broadcast_in_dim3A_11 {strides = array<i32>} : memref<16x128xf32, #tpu.memory_space<vmem>>, vector<16xf32>,
      %swap3A_347 = arith.constant 10 : i32
      %swap3A_348 = arith.index_cast %swap3A_347 : i32 to index
      %swap3A_349 = arith.constant 64 : index
      %swap3A_350 = tpu.vector_load %arg7[%swap3A_348, %swap3A_349] {strides = array<i32>} : memref<16x128xf32, #tpu.memory_space<vmem>>, vector<16xf32>,
      tpu.vector_store %arg7[%swap3A_348, %swap3A_349], %broadcast_in_dim3A_11 {strides = array<i32>} : memref<16x128xf32, #tpu.memory_space<vmem>>, vector<16xf32>,
      %swap3A_351 = arith.constant 10 : i32
      %swap3A_352 = arith.index_cast %swap3A_351 : i32 to index
      %swap3A_353 = arith.constant 80 : index
      %swap3A_354 = tpu.vector_load %arg7[%swap3A_352, %swap3A_353] {strides = array<i32>} : memref<16x128xf32, #tpu.memory_space<vmem>>, vector<16xf32>,
      tpu.vector_store %arg7[%swap3A_352, %swap3A_353], %broadcast_in_dim3A_11 {strides = array<i32>} : memref<16x128xf32, #tpu.memory_space<vmem>>, vector<16xf32>,
      %swap3A_355 = arith.constant 10 : i32
      %swap3A_356 = arith.index_cast %swap3A_355 : i32 to index
      %swap3A_357 = arith.constant 96 : index
      %swap3A_358 = tpu.vector_load %arg7[%swap3A_356, %swap3A_357] {strides = array<i32>} : memref<16x128xf32, #tpu.memory_space<vmem>>, vector<16xf32>,
      tpu.vector_store %arg7[%swap3A_356, %swap3A_357], %broadcast_in_dim3A_11 {strides = array<i32>} : memref<16x128xf32, #tpu.memory_space<vmem>>, vector<16xf32>,
      %swap3A_359 = arith.constant 10 : i32
      %swap3A_360 = arith.index_cast %swap3A_359 : i32 to index
      %swap3A_361 = arith.constant 112 : index
      %swap3A_362 = tpu.vector_load %arg7[%swap3A_360, %swap3A_361] {strides = array<i32>} : memref<16x128xf32, #tpu.memory_space<vmem>>, vector<16xf32>,
      tpu.vector_store %arg7[%swap3A_360, %swap3A_361], %broadcast_in_dim3A_11 {strides = array<i32>} : memref<16x128xf32, #tpu.memory_space<vmem>>, vector<16xf32>,
      %swap3A_363 = arith.constant 11 : i32
      %swap3A_364 = arith.index_cast %swap3A_363 : i32 to index
      %swap3A_365 = arith.constant 0 : index
      %swap3A_366 = tpu.vector_load %arg7[%swap3A_364, %swap3A_365] {strides = array<i32>} : memref<16x128xf32, #tpu.memory_space<vmem>>, vector<16xf32>,
      tpu.vector_store %arg7[%swap3A_364, %swap3A_365], %broadcast_in_dim3A_11 {strides = array<i32>} : memref<16x128xf32, #tpu.memory_space<vmem>>, vector<16xf32>,
      %swap3A_367 = arith.constant 11 : i32
      %swap3A_368 = arith.index_cast %swap3A_367 : i32 to index
      %swap3A_369 = arith.constant 16 : index
      %swap3A_370 = tpu.vector_load %arg7[%swap3A_368, %swap3A_369] {strides = array<i32>} : memref<16x128xf32, #tpu.memory_space<vmem>>, vector<16xf32>,
      tpu.vector_store %arg7[%swap3A_368, %swap3A_369], %broadcast_in_dim3A_11 {strides = array<i32>} : memref<16x128xf32, #tpu.memory_space<vmem>>, vector<16xf32>,
      %swap3A_371 = arith.constant 11 : i32
      %swap3A_372 = arith.index_cast %swap3A_371 : i32 to index
      %swap3A_373 = arith.constant 32 : index
      %swap3A_374 = tpu.vector_load %arg7[%swap3A_372, %swap3A_373] {strides = array<i32>} : memref<16x128xf32, #tpu.memory_space<vmem>>, vector<16xf32>,
      tpu.vector_store %arg7[%swap3A_372, %swap3A_373], %broadcast_in_dim3A_11 {strides = array<i32>} : memref<16x128xf32, #tpu.memory_space<vmem>>, vector<16xf32>,
      %swap3A_375 = arith.constant 11 : i32
      %swap3A_376 = arith.index_cast %swap3A_375 : i32 to index
      %swap3A_377 = arith.constant 48 : index
      %swap3A_378 = tpu.vector_load %arg7[%swap3A_376, %swap3A_377] {strides = array<i32>} : memref<16x128xf32, #tpu.memory_space<vmem>>, vector<16xf32>,
      tpu.vector_store %arg7[%swap3A_376, %swap3A_377], %broadcast_in_dim3A_11 {strides = array<i32>} : memref<16x128xf32, #tpu.memory_space<vmem>>, vector<16xf32>,
      %swap3A_379 = arith.constant 11 : i32
      %swap3A_380 = arith.index_cast %swap3A_379 : i32 to index
      %swap3A_381 = arith.constant 64 : index
      %swap3A_382 = tpu.vector_load %arg7[%swap3A_380, %swap3A_381] {strides = array<i32>} : memref<16x128xf32, #tpu.memory_space<vmem>>, vector<16xf32>,
      tpu.vector_store %arg7[%swap3A_380, %swap3A_381], %broadcast_in_dim3A_11 {strides = array<i32>} : memref<16x128xf32, #tpu.memory_space<vmem>>, vector<16xf32>,
      %swap3A_383 = arith.constant 11 : i32
      %swap3A_384 = arith.index_cast %swap3A_383 : i32 to index
      %swap3A_385 = arith.constant 80 : index
      %swap3A_386 = tpu.vector_load %arg7[%swap3A_384, %swap3A_385] {strides = array<i32>} : memref<16x128xf32, #tpu.memory_space<vmem>>, vector<16xf32>,
      tpu.vector_store %arg7[%swap3A_384, %swap3A_385], %broadcast_in_dim3A_11 {strides = array<i32>} : memref<16x128xf32, #tpu.memory_space<vmem>>, vector<16xf32>,
      %swap3A_387 = arith.constant 11 : i32
      %swap3A_388 = arith.index_cast %swap3A_387 : i32 to index
      %swap3A_389 = arith.constant 96 : index
      %swap3A_390 = tpu.vector_load %arg7[%swap3A_388, %swap3A_389] {strides = array<i32>} : memref<16x128xf32, #tpu.memory_space<vmem>>, vector<16xf32>,
      tpu.vector_store %arg7[%swap3A_388, %swap3A_389], %broadcast_in_dim3A_11 {strides = array<i32>} : memref<16x128xf32, #tpu.memory_space<vmem>>, vector<16xf32>,
      %swap3A_391 = arith.constant 11 : i32
      %swap3A_392 = arith.index_cast %swap3A_391 : i32 to index
      %swap3A_393 = arith.constant 112 : index
      %swap3A_394 = tpu.vector_load %arg7[%swap3A_392, %swap3A_393] {strides = array<i32>} : memref<16x128xf32, #tpu.memory_space<vmem>>, vector<16xf32>,
      tpu.vector_store %arg7[%swap3A_392, %swap3A_393], %broadcast_in_dim3A_11 {strides = array<i32>} : memref<16x128xf32, #tpu.memory_space<vmem>>, vector<16xf32>,
      %swap3A_395 = arith.constant 12 : i32
      %swap3A_396 = arith.index_cast %swap3A_395 : i32 to index
      %swap3A_397 = arith.constant 0 : index
      %swap3A_398 = tpu.vector_load %arg7[%swap3A_396, %swap3A_397] {strides = array<i32>} : memref<16x128xf32, #tpu.memory_space<vmem>>, vector<16xf32>,
      tpu.vector_store %arg7[%swap3A_396, %swap3A_397], %broadcast_in_dim3A_11 {strides = array<i32>} : memref<16x128xf32, #tpu.memory_space<vmem>>, vector<16xf32>,
      %swap3A_399 = arith.constant 12 : i32
      %swap3A_400 = arith.index_cast %swap3A_399 : i32 to index
      %swap3A_401 = arith.constant 16 : index
      %swap3A_402 = tpu.vector_load %arg7[%swap3A_400, %swap3A_401] {strides = array<i32>} : memref<16x128xf32, #tpu.memory_space<vmem>>, vector<16xf32>,
      tpu.vector_store %arg7[%swap3A_400, %swap3A_401], %broadcast_in_dim3A_11 {strides = array<i32>} : memref<16x128xf32, #tpu.memory_space<vmem>>, vector<16xf32>,
      %swap3A_403 = arith.constant 12 : i32
      %swap3A_404 = arith.index_cast %swap3A_403 : i32 to index
      %swap3A_405 = arith.constant 32 : index
      %swap3A_406 = tpu.vector_load %arg7[%swap3A_404, %swap3A_405] {strides = array<i32>} : memref<16x128xf32, #tpu.memory_space<vmem>>, vector<16xf32>,
      tpu.vector_store %arg7[%swap3A_404, %swap3A_405], %broadcast_in_dim3A_11 {strides = array<i32>} : memref<16x128xf32, #tpu.memory_space<vmem>>, vector<16xf32>,
      %swap3A_407 = arith.constant 12 : i32
      %swap3A_408 = arith.index_cast %swap3A_407 : i32 to index
      %swap3A_409 = arith.constant 48 : index
      %swap3A_410 = tpu.vector_load %arg7[%swap3A_408, %swap3A_409] {strides = array<i32>} : memref<16x128xf32, #tpu.memory_space<vmem>>, vector<16xf32>,
      tpu.vector_store %arg7[%swap3A_408, %swap3A_409], %broadcast_in_dim3A_11 {strides = array<i32>} : memref<16x128xf32, #tpu.memory_space<vmem>>, vector<16xf32>,
      %swap3A_411 = arith.constant 12 : i32
      %swap3A_412 = arith.index_cast %swap3A_411 : i32 to index
      %swap3A_413 = arith.constant 64 : index
      %swap3A_414 = tpu.vector_load %arg7[%swap3A_412, %swap3A_413] {strides = array<i32>} : memref<16x128xf32, #tpu.memory_space<vmem>>, vector<16xf32>,
      tpu.vector_store %arg7[%swap3A_412, %swap3A_413], %broadcast_in_dim3A_11 {strides = array<i32>} : memref<16x128xf32, #tpu.memory_space<vmem>>, vector<16xf32>,
      %swap3A_415 = arith.constant 12 : i32
      %swap3A_416 = arith.index_cast %swap3A_415 : i32 to index
      %swap3A_417 = arith.constant 80 : index
      %swap3A_418 = tpu.vector_load %arg7[%swap3A_416, %swap3A_417] {strides = array<i32>} : memref<16x128xf32, #tpu.memory_space<vmem>>, vector<16xf32>,
      tpu.vector_store %arg7[%swap3A_416, %swap3A_417], %broadcast_in_dim3A_11 {strides = array<i32>} : memref<16x128xf32, #tpu.memory_space<vmem>>, vector<16xf32>,
      %swap3A_419 = arith.constant 12 : i32
      %swap3A_420 = arith.index_cast %swap3A_419 : i32 to index
      %swap3A_421 = arith.constant 96 : index
      %swap3A_422 = tpu.vector_load %arg7[%swap3A_420, %swap3A_421] {strides = array<i32>} : memref<16x128xf32, #tpu.memory_space<vmem>>, vector<16xf32>,
      tpu.vector_store %arg7[%swap3A_420, %swap3A_421], %broadcast_in_dim3A_11 {strides = array<i32>} : memref<16x128xf32, #tpu.memory_space<vmem>>, vector<16xf32>,
      %swap3A_423 = arith.constant 12 : i32
      %swap3A_424 = arith.index_cast %swap3A_423 : i32 to index
      %swap3A_425 = arith.constant 112 : index
      %swap3A_426 = tpu.vector_load %arg7[%swap3A_424, %swap3A_425] {strides = array<i32>} : memref<16x128xf32, #tpu.memory_space<vmem>>, vector<16xf32>,
      tpu.vector_store %arg7[%swap3A_424, %swap3A_425], %broadcast_in_dim3A_11 {strides = array<i32>} : memref<16x128xf32, #tpu.memory_space<vmem>>, vector<16xf32>,
      %swap3A_427 = arith.constant 13 : i32
      %swap3A_428 = arith.index_cast %swap3A_427 : i32 to index
      %swap3A_429 = arith.constant 0 : index
      %swap3A_430 = tpu.vector_load %arg7[%swap3A_428, %swap3A_429] {strides = array<i32>} : memref<16x128xf32, #tpu.memory_space<vmem>>, vector<16xf32>,
      tpu.vector_store %arg7[%swap3A_428, %swap3A_429], %broadcast_in_dim3A_11 {strides = array<i32>} : memref<16x128xf32, #tpu.memory_space<vmem>>, vector<16xf32>,
      %swap3A_431 = arith.constant 13 : i32
      %swap3A_432 = arith.index_cast %swap3A_431 : i32 to index
      %swap3A_433 = arith.constant 16 : index
      %swap3A_434 = tpu.vector_load %arg7[%swap3A_432, %swap3A_433] {strides = array<i32>} : memref<16x128xf32, #tpu.memory_space<vmem>>, vector<16xf32>,
      tpu.vector_store %arg7[%swap3A_432, %swap3A_433], %broadcast_in_dim3A_11 {strides = array<i32>} : memref<16x128xf32, #tpu.memory_space<vmem>>, vector<16xf32>,
      %swap3A_435 = arith.constant 13 : i32
      %swap3A_436 = arith.index_cast %swap3A_435 : i32 to index
      %swap3A_437 = arith.constant 32 : index
      %swap3A_438 = tpu.vector_load %arg7[%swap3A_436, %swap3A_437] {strides = array<i32>} : memref<16x128xf32, #tpu.memory_space<vmem>>, vector<16xf32>,
      tpu.vector_store %arg7[%swap3A_436, %swap3A_437], %broadcast_in_dim3A_11 {strides = array<i32>} : memref<16x128xf32, #tpu.memory_space<vmem>>, vector<16xf32>,
      %swap3A_439 = arith.constant 13 : i32
      %swap3A_440 = arith.index_cast %swap3A_439 : i32 to index
      %swap3A_441 = arith.constant 48 : index
      %swap3A_442 = tpu.vector_load %arg7[%swap3A_440, %swap3A_441] {strides = array<i32>} : memref<16x128xf32, #tpu.memory_space<vmem>>, vector<16xf32>,
      tpu.vector_store %arg7[%swap3A_440, %swap3A_441], %broadcast_in_dim3A_11 {strides = array<i32>} : memref<16x128xf32, #tpu.memory_space<vmem>>, vector<16xf32>,
      %swap3A_443 = arith.constant 13 : i32
      %swap3A_444 = arith.index_cast %swap3A_443 : i32 to index
      %swap3A_445 = arith.constant 64 : index
      %swap3A_446 = tpu.vector_load %arg7[%swap3A_444, %swap3A_445] {strides = array<i32>} : memref<16x128xf32, #tpu.memory_space<vmem>>, vector<16xf32>,
      tpu.vector_store %arg7[%swap3A_444, %swap3A_445], %broadcast_in_dim3A_11 {strides = array<i32>} : memref<16x128xf32, #tpu.memory_space<vmem>>, vector<16xf32>,
      %swap3A_447 = arith.constant 13 : i32
      %swap3A_448 = arith.index_cast %swap3A_447 : i32 to index
      %swap3A_449 = arith.constant 80 : index
      %swap3A_450 = tpu.vector_load %arg7[%swap3A_448, %swap3A_449] {strides = array<i32>} : memref<16x128xf32, #tpu.memory_space<vmem>>, vector<16xf32>,
      tpu.vector_store %arg7[%swap3A_448, %swap3A_449], %broadcast_in_dim3A_11 {strides = array<i32>} : memref<16x128xf32, #tpu.memory_space<vmem>>, vector<16xf32>,
      %swap3A_451 = arith.constant 13 : i32
      %swap3A_452 = arith.index_cast %swap3A_451 : i32 to index
      %swap3A_453 = arith.constant 96 : index
      %swap3A_454 = tpu.vector_load %arg7[%swap3A_452, %swap3A_453] {strides = array<i32>} : memref<16x128xf32, #tpu.memory_space<vmem>>, vector<16xf32>,
      tpu.vector_store %arg7[%swap3A_452, %swap3A_453], %broadcast_in_dim3A_11 {strides = array<i32>} : memref<16x128xf32, #tpu.memory_space<vmem>>, vector<16xf32>,
      %swap3A_455 = arith.constant 13 : i32
      %swap3A_456 = arith.index_cast %swap3A_455 : i32 to index
      %swap3A_457 = arith.constant 112 : index
      %swap3A_458 = tpu.vector_load %arg7[%swap3A_456, %swap3A_457] {strides = array<i32>} : memref<16x128xf32, #tpu.memory_space<vmem>>, vector<16xf32>,
      tpu.vector_store %arg7[%swap3A_456, %swap3A_457], %broadcast_in_dim3A_11 {strides = array<i32>} : memref<16x128xf32, #tpu.memory_space<vmem>>, vector<16xf32>,
      %swap3A_459 = arith.constant 14 : i32
      %swap3A_460 = arith.index_cast %swap3A_459 : i32 to index
      %swap3A_461 = arith.constant 0 : index
      %swap3A_462 = tpu.vector_load %arg7[%swap3A_460, %swap3A_461] {strides = array<i32>} : memref<16x128xf32, #tpu.memory_space<vmem>>, vector<16xf32>,
      tpu.vector_store %arg7[%swap3A_460, %swap3A_461], %broadcast_in_dim3A_11 {strides = array<i32>} : memref<16x128xf32, #tpu.memory_space<vmem>>, vector<16xf32>,
      %swap3A_463 = arith.constant 14 : i32
      %swap3A_464 = arith.index_cast %swap3A_463 : i32 to index
      %swap3A_465 = arith.constant 16 : index
      %swap3A_466 = tpu.vector_load %arg7[%swap3A_464, %swap3A_465] {strides = array<i32>} : memref<16x128xf32, #tpu.memory_space<vmem>>, vector<16xf32>,
      tpu.vector_store %arg7[%swap3A_464, %swap3A_465], %broadcast_in_dim3A_11 {strides = array<i32>} : memref<16x128xf32, #tpu.memory_space<vmem>>, vector<16xf32>,
      %swap3A_467 = arith.constant 14 : i32
      %swap3A_468 = arith.index_cast %swap3A_467 : i32 to index
      %swap3A_469 = arith.constant 32 : index
      %swap3A_470 = tpu.vector_load %arg7[%swap3A_468, %swap3A_469] {strides = array<i32>} : memref<16x128xf32, #tpu.memory_space<vmem>>, vector<16xf32>,
      tpu.vector_store %arg7[%swap3A_468, %swap3A_469], %broadcast_in_dim3A_11 {strides = array<i32>} : memref<16x128xf32, #tpu.memory_space<vmem>>, vector<16xf32>,
      %swap3A_471 = arith.constant 14 : i32
      %swap3A_472 = arith.index_cast %swap3A_471 : i32 to index
      %swap3A_473 = arith.constant 48 : index
      %swap3A_474 = tpu.vector_load %arg7[%swap3A_472, %swap3A_473] {strides = array<i32>} : memref<16x128xf32, #tpu.memory_space<vmem>>, vector<16xf32>,
      tpu.vector_store %arg7[%swap3A_472, %swap3A_473], %broadcast_in_dim3A_11 {strides = array<i32>} : memref<16x128xf32, #tpu.memory_space<vmem>>, vector<16xf32>,
      %swap3A_475 = arith.constant 14 : i32
      %swap3A_476 = arith.index_cast %swap3A_475 : i32 to index
      %swap3A_477 = arith.constant 64 : index
      %swap3A_478 = tpu.vector_load %arg7[%swap3A_476, %swap3A_477] {strides = array<i32>} : memref<16x128xf32, #tpu.memory_space<vmem>>, vector<16xf32>,
      tpu.vector_store %arg7[%swap3A_476, %swap3A_477], %broadcast_in_dim3A_11 {strides = array<i32>} : memref<16x128xf32, #tpu.memory_space<vmem>>, vector<16xf32>,
      %swap3A_479 = arith.constant 14 : i32
      %swap3A_480 = arith.index_cast %swap3A_479 : i32 to index
      %swap3A_481 = arith.constant 80 : index
      %swap3A_482 = tpu.vector_load %arg7[%swap3A_480, %swap3A_481] {strides = array<i32>} : memref<16x128xf32, #tpu.memory_space<vmem>>, vector<16xf32>,
      tpu.vector_store %arg7[%swap3A_480, %swap3A_481], %broadcast_in_dim3A_11 {strides = array<i32>} : memref<16x128xf32, #tpu.memory_space<vmem>>, vector<16xf32>,
      %swap3A_483 = arith.constant 14 : i32
      %swap3A_484 = arith.index_cast %swap3A_483 : i32 to index
      %swap3A_485 = arith.constant 96 : index
      %swap3A_486 = tpu.vector_load %arg7[%swap3A_484, %swap3A_485] {strides = array<i32>} : memref<16x128xf32, #tpu.memory_space<vmem>>, vector<16xf32>,
      tpu.vector_store %arg7[%swap3A_484, %swap3A_485], %broadcast_in_dim3A_11 {strides = array<i32>} : memref<16x128xf32, #tpu.memory_space<vmem>>, vector<16xf32>,
      %swap3A_487 = arith.constant 14 : i32
      %swap3A_488 = arith.index_cast %swap3A_487 : i32 to index
      %swap3A_489 = arith.constant 112 : index
      %swap3A_490 = tpu.vector_load %arg7[%swap3A_488, %swap3A_489] {strides = array<i32>} : memref<16x128xf32, #tpu.memory_space<vmem>>, vector<16xf32>,
      tpu.vector_store %arg7[%swap3A_488, %swap3A_489], %broadcast_in_dim3A_11 {strides = array<i32>} : memref<16x128xf32, #tpu.memory_space<vmem>>, vector<16xf32>,
      %swap3A_491 = arith.constant 15 : i32
      %swap3A_492 = arith.index_cast %swap3A_491 : i32 to index
      %swap3A_493 = arith.constant 0 : index
      %swap3A_494 = tpu.vector_load %arg7[%swap3A_492, %swap3A_493] {strides = array<i32>} : memref<16x128xf32, #tpu.memory_space<vmem>>, vector<16xf32>,
      tpu.vector_store %arg7[%swap3A_492, %swap3A_493], %broadcast_in_dim3A_11 {strides = array<i32>} : memref<16x128xf32, #tpu.memory_space<vmem>>, vector<16xf32>,
      %swap3A_495 = arith.constant 15 : i32
      %swap3A_496 = arith.index_cast %swap3A_495 : i32 to index
      %swap3A_497 = arith.constant 16 : index
      %swap3A_498 = tpu.vector_load %arg7[%swap3A_496, %swap3A_497] {strides = array<i32>} : memref<16x128xf32, #tpu.memory_space<vmem>>, vector<16xf32>,
      tpu.vector_store %arg7[%swap3A_496, %swap3A_497], %broadcast_in_dim3A_11 {strides = array<i32>} : memref<16x128xf32, #tpu.memory_space<vmem>>, vector<16xf32>,
      %swap3A_499 = arith.constant 15 : i32
      %swap3A_500 = arith.index_cast %swap3A_499 : i32 to index
      %swap3A_501 = arith.constant 32 : index
      %swap3A_502 = tpu.vector_load %arg7[%swap3A_500, %swap3A_501] {strides = array<i32>} : memref<16x128xf32, #tpu.memory_space<vmem>>, vector<16xf32>,
      tpu.vector_store %arg7[%swap3A_500, %swap3A_501], %broadcast_in_dim3A_11 {strides = array<i32>} : memref<16x128xf32, #tpu.memory_space<vmem>>, vector<16xf32>,
      %swap3A_503 = arith.constant 15 : i32
      %swap3A_504 = arith.index_cast %swap3A_503 : i32 to index
      %swap3A_505 = arith.constant 48 : index
      %swap3A_506 = tpu.vector_load %arg7[%swap3A_504, %swap3A_505] {strides = array<i32>} : memref<16x128xf32, #tpu.memory_space<vmem>>, vector<16xf32>,
      tpu.vector_store %arg7[%swap3A_504, %swap3A_505], %broadcast_in_dim3A_11 {strides = array<i32>} : memref<16x128xf32, #tpu.memory_space<vmem>>, vector<16xf32>,
      %swap3A_507 = arith.constant 15 : i32
      %swap3A_508 = arith.index_cast %swap3A_507 : i32 to index
      %swap3A_509 = arith.constant 64 : index
      %swap3A_510 = tpu.vector_load %arg7[%swap3A_508, %swap3A_509] {strides = array<i32>} : memref<16x128xf32, #tpu.memory_space<vmem>>, vector<16xf32>,
      tpu.vector_store %arg7[%swap3A_508, %swap3A_509], %broadcast_in_dim3A_11 {strides = array<i32>} : memref<16x128xf32, #tpu.memory_space<vmem>>, vector<16xf32>,
      %swap3A_511 = arith.constant 15 : i32
      %swap3A_512 = arith.index_cast %swap3A_511 : i32 to index
      %swap3A_513 = arith.constant 80 : index
      %swap3A_514 = tpu.vector_load %arg7[%swap3A_512, %swap3A_513] {strides = array<i32>} : memref<16x128xf32, #tpu.memory_space<vmem>>, vector<16xf32>,
      tpu.vector_store %arg7[%swap3A_512, %swap3A_513], %broadcast_in_dim3A_11 {strides = array<i32>} : memref<16x128xf32, #tpu.memory_space<vmem>>, vector<16xf32>,
      %swap3A_515 = arith.constant 15 : i32
      %swap3A_516 = arith.index_cast %swap3A_515 : i32 to index
      %swap3A_517 = arith.constant 96 : index
      %swap3A_518 = tpu.vector_load %arg7[%swap3A_516, %swap3A_517] {strides = array<i32>} : memref<16x128xf32, #tpu.memory_space<vmem>>, vector<16xf32>,
      tpu.vector_store %arg7[%swap3A_516, %swap3A_517], %broadcast_in_dim3A_11 {strides = array<i32>} : memref<16x128xf32, #tpu.memory_space<vmem>>, vector<16xf32>,
      %swap3A_519 = arith.constant 15 : i32
      %swap3A_520 = arith.index_cast %swap3A_519 : i32 to index
      %swap3A_521 = arith.constant 112 : index
      %swap3A_522 = tpu.vector_load %arg7[%swap3A_520, %swap3A_521] {strides = array<i32>} : memref<16x128xf32, #tpu.memory_space<vmem>>, vector<16xf32>,
      tpu.vector_store %arg7[%swap3A_520, %swap3A_521], %broadcast_in_dim3A_11 {strides = array<i32>} : memref<16x128xf32, #tpu.memory_space<vmem>>, vector<16xf32>,
      %scan3A = arith.constant 0 : i32
      %scan3A_523 = arith.constant 128 : i32
      %scan3A_524 = arith.addi %scan3A, %scan3A_523 : i32
      %scan3A_525 = arith.constant 1 : i32
      %scan3A_526:4 = scf.for %scan3A_528 = %scan3A to %scan3A_524 step %scan3A_525 iter_args(%scan3A_529 = %broadcast_in_dim3A_9, %scan3A_530 = %broadcast_in_dim3A_9, %scan3A_531 = %broadcast_in_dim3A_9, %scan3A_532 = %broadcast_in_dim3A_9) -> (vector<16xi32>, vector<16xi32>, vector<16xi32>, vector<16xi32>)  : i32 {
        %add3A_533 = vector.broadcast %scan3A_528 : i32 to vector<16xi32>
        %add3A_534 = arith.addi %broadcast_in_dim3A_5, %add3A_533 : vector<16xi32>
        %gather3A = tpu.vector_load_idx %arg5[%iota3A, %add3A_534] : memref<16x128xi32, #tpu.memory_space<vmem>>[vector<16xi32>, vector<16xi32>], vector<16xi32>,
        %gather3A_535 = tpu.vector_load_idx %arg6[%iota3A, %add3A_534] : memref<16x128xf32, #tpu.memory_space<vmem>>[vector<16xi32>, vector<16xi32>], vector<16xf32>,
        %shift_right_arithmetic3A = arith.constant 5 : i32
        %shift_right_arithmetic3A_536 = vector.broadcast %shift_right_arithmetic3A : i32 to vector<16xi32>
        %shift_right_arithmetic3A_537 = arith.shrsi %gather3A, %shift_right_arithmetic3A_536 : vector<16xi32>
        %and3A = arith.constant 31 : i32
        %and3A_538 = vector.broadcast %and3A : i32 to vector<16xi32>
        %and3A_539 = arith.andi %gather3A, %and3A_538 : vector<16xi32>
        %shift_left3A = arith.shli %broadcast_in_dim3A_7, %and3A_539 : vector<16xi32>
        %sub3A = arith.constant 0 : i32
        %sub3A_540 = vector.broadcast %sub3A : i32 to vector<16xi32>
        %sub3A_541 = arith.subi %sub3A_540, %shift_left3A : vector<16xi32>
        %sub3A_542 = arith.constant 1 : i32
        %sub3A_543 = vector.broadcast %sub3A_542 : i32 to vector<16xi32>
        %sub3A_544 = arith.subi %shift_left3A, %sub3A_543 : vector<16xi32>
        %or3A = arith.ori %shift_left3A, %sub3A_544 : vector<16xi32>
        %broadcast_in_dim3A_545 = arith.constant 4 : i32
        %broadcast_in_dim3A_546 = vector.broadcast %broadcast_in_dim3A_545 : i32 to vector<16xi32>
        %lt3A_547 = arith.constant 3 : i32
        %lt3A_548 = vector.broadcast %lt3A_547 : i32 to vector<16xi32>
        %lt3A_549 = arith.cmpi slt, %shift_right_arithmetic3A_537, %lt3A_548 : vector<16xi32>
        %eq3A = arith.constant 3 : i32
        %eq3A_550 = vector.broadcast %eq3A : i32 to vector<16xi32>
        %eq3A_551 = arith.cmpi eq, %shift_right_arithmetic3A_537, %eq3A_550 : vector<16xi32>
        %jit3A = arith.constant 0 : i32
        %broadcast_in_dim3A_552 = vector.broadcast %jit3A : i32 to vector<16xi32>
        %select_n3A = arith.select %eq3A_551, %sub3A_541, %broadcast_in_dim3A_552 : vector<16xi1>, vector<16xi32>
        %select_n3A_553 = arith.select %lt3A_549, %broadcast_in_dim3A_9, %select_n3A : vector<16xi1>, vector<16xi32>
        %and3A_554 = arith.andi %scan3A_532, %select_n3A_553 : vector<16xi32>
        %ne3A = arith.constant 0 : i32
        %ne3A_555 = vector.broadcast %ne3A : i32 to vector<16xi32>
        %ne3A_556 = arith.cmpi ne, %and3A_554, %ne3A_555 : vector<16xi32>
        %select_n3A_557 = arith.select %ne3A_556, %and3A_554, %broadcast_in_dim3A_7 : vector<16xi1>, vector<16xi32>
        %jit3A_558 = arith.constant 3 : i32
        %broadcast_in_dim3A_559 = vector.broadcast %jit3A_558 : i32 to vector<16xi32>
        %select_n3A_560 = arith.select %ne3A_556, %broadcast_in_dim3A_559, %broadcast_in_dim3A_546 : vector<16xi1>, vector<16xi32>
        %lt3A_561 = arith.constant 2 : i32
        %lt3A_562 = vector.broadcast %lt3A_561 : i32 to vector<16xi32>
        %lt3A_563 = arith.cmpi slt, %shift_right_arithmetic3A_537, %lt3A_562 : vector<16xi32>
        %eq3A_564 = arith.constant 2 : i32
        %eq3A_565 = vector.broadcast %eq3A_564 : i32 to vector<16xi32>
        %eq3A_566 = arith.cmpi eq, %shift_right_arithmetic3A_537, %eq3A_565 : vector<16xi32>
        %jit3A_567 = arith.constant 0 : i32
        %broadcast_in_dim3A_568 = vector.broadcast %jit3A_567 : i32 to vector<16xi32>
        %select_n3A_569 = arith.select %eq3A_566, %sub3A_541, %broadcast_in_dim3A_568 : vector<16xi1>, vector<16xi32>
        %select_n3A_570 = arith.select %lt3A_563, %broadcast_in_dim3A_9, %select_n3A_569 : vector<16xi1>, vector<16xi32>
        %and3A_571 = arith.andi %scan3A_531, %select_n3A_570 : vector<16xi32>
        %ne3A_572 = arith.constant 0 : i32
        %ne3A_573 = vector.broadcast %ne3A_572 : i32 to vector<16xi32>
        %ne3A_574 = arith.cmpi ne, %and3A_571, %ne3A_573 : vector<16xi32>
        %select_n3A_575 = arith.select %ne3A_574, %and3A_571, %select_n3A_557 : vector<16xi1>, vector<16xi32>
        %jit3A_576 = arith.constant 2 : i32
        %broadcast_in_dim3A_577 = vector.broadcast %jit3A_576 : i32 to vector<16xi32>
        %select_n3A_578 = arith.select %ne3A_574, %broadcast_in_dim3A_577, %select_n3A_560 : vector<16xi1>, vector<16xi32>
        %lt3A_579 = arith.constant 1 : i32
        %lt3A_580 = vector.broadcast %lt3A_579 : i32 to vector<16xi32>
        %lt3A_581 = arith.cmpi slt, %shift_right_arithmetic3A_537, %lt3A_580 : vector<16xi32>
        %eq3A_582 = arith.constant 1 : i32
        %eq3A_583 = vector.broadcast %eq3A_582 : i32 to vector<16xi32>
        %eq3A_584 = arith.cmpi eq, %shift_right_arithmetic3A_537, %eq3A_583 : vector<16xi32>
        %jit3A_585 = arith.constant 0 : i32
        %broadcast_in_dim3A_586 = vector.broadcast %jit3A_585 : i32 to vector<16xi32>
        %select_n3A_587 = arith.select %eq3A_584, %sub3A_541, %broadcast_in_dim3A_586 : vector<16xi1>, vector<16xi32>
        %select_n3A_588 = arith.select %lt3A_581, %broadcast_in_dim3A_9, %select_n3A_587 : vector<16xi1>, vector<16xi32>
        %and3A_589 = arith.andi %scan3A_530, %select_n3A_588 : vector<16xi32>
        %ne3A_590 = arith.constant 0 : i32
        %ne3A_591 = vector.broadcast %ne3A_590 : i32 to vector<16xi32>
        %ne3A_592 = arith.cmpi ne, %and3A_589, %ne3A_591 : vector<16xi32>
        %select_n3A_593 = arith.select %ne3A_592, %and3A_589, %select_n3A_575 : vector<16xi1>, vector<16xi32>
        %jit3A_594 = arith.constant 1 : i32
        %broadcast_in_dim3A_595 = vector.broadcast %jit3A_594 : i32 to vector<16xi32>
        %select_n3A_596 = arith.select %ne3A_592, %broadcast_in_dim3A_595, %select_n3A_578 : vector<16xi1>, vector<16xi32>
        %lt3A_597 = arith.constant 0 : i32
        %lt3A_598 = vector.broadcast %lt3A_597 : i32 to vector<16xi32>
        %lt3A_599 = arith.cmpi slt, %shift_right_arithmetic3A_537, %lt3A_598 : vector<16xi32>
        %eq3A_600 = arith.constant 0 : i32
        %eq3A_601 = vector.broadcast %eq3A_600 : i32 to vector<16xi32>
        %eq3A_602 = arith.cmpi eq, %shift_right_arithmetic3A_537, %eq3A_601 : vector<16xi32>
        %jit3A_603 = arith.constant 0 : i32
        %broadcast_in_dim3A_604 = vector.broadcast %jit3A_603 : i32 to vector<16xi32>
        %select_n3A_605 = arith.select %eq3A_602, %sub3A_541, %broadcast_in_dim3A_604 : vector<16xi1>, vector<16xi32>
        %select_n3A_606 = arith.select %lt3A_599, %broadcast_in_dim3A_9, %select_n3A_605 : vector<16xi1>, vector<16xi32>
        %and3A_607 = arith.andi %scan3A_529, %select_n3A_606 : vector<16xi32>
        %ne3A_608 = arith.constant 0 : i32
        %ne3A_609 = vector.broadcast %ne3A_608 : i32 to vector<16xi32>
        %ne3A_610 = arith.cmpi ne, %and3A_607, %ne3A_609 : vector<16xi32>
        %select_n3A_611 = arith.select %ne3A_610, %and3A_607, %select_n3A_593 : vector<16xi1>, vector<16xi32>
        %jit3A_612 = arith.constant 0 : i32
        %broadcast_in_dim3A_613 = vector.broadcast %jit3A_612 : i32 to vector<16xi32>
        %select_n3A_614 = arith.select %ne3A_610, %broadcast_in_dim3A_613, %select_n3A_596 : vector<16xi1>, vector<16xi32>
        %mul3A_615 = arith.constant 32 : i32
        %mul3A_616 = vector.broadcast %mul3A_615 : i32 to vector<16xi32>
        %mul3A_617 = arith.muli %select_n3A_614, %mul3A_616 : vector<16xi32>
        %sub3A_618 = arith.constant 0 : i32
        %sub3A_619 = vector.broadcast %sub3A_618 : i32 to vector<16xi32>
        %sub3A_620 = arith.subi %sub3A_619, %select_n3A_611 : vector<16xi32>
        %and3A_621 = arith.andi %select_n3A_611, %sub3A_620 : vector<16xi32>
        %convert_element_type3A_622 = arith.sitofp %and3A_621 : vector<16xi32> to vector<16xf32>
        %bitcast_convert_type3A = tpu.bitcast %convert_element_type3A_622 : vector<16xf32> -> vector<16xi32>
        %shift_right_arithmetic3A_623 = arith.constant 23 : i32
        %shift_right_arithmetic3A_624 = vector.broadcast %shift_right_arithmetic3A_623 : i32 to vector<16xi32>
        %shift_right_arithmetic3A_625 = arith.shrsi %bitcast_convert_type3A, %shift_right_arithmetic3A_624 : vector<16xi32>
        %and3A_626 = arith.constant 255 : i32
        %and3A_627 = vector.broadcast %and3A_626 : i32 to vector<16xi32>
        %and3A_628 = arith.andi %shift_right_arithmetic3A_625, %and3A_627 : vector<16xi32>
        %sub3A_629 = arith.constant 127 : i32
        %sub3A_630 = vector.broadcast %sub3A_629 : i32 to vector<16xi32>
        %sub3A_631 = arith.subi %and3A_628, %sub3A_630 : vector<16xi32>
        %add3A_632 = arith.addi %mul3A_617, %sub3A_631 : vector<16xi32>
        %broadcast_in_dim3A_633 = arith.constant -4 : i32
        %broadcast_in_dim3A_634 = vector.broadcast %broadcast_in_dim3A_633 : i32 to vector<16xi32>
        %gt3A = arith.constant 0 : i32
        %gt3A_635 = vector.broadcast %gt3A : i32 to vector<16xi32>
        %gt3A_636 = arith.cmpi sgt, %shift_right_arithmetic3A_537, %gt3A_635 : vector<16xi32>
        %eq3A_637 = arith.constant 0 : i32
        %eq3A_638 = vector.broadcast %eq3A_637 : i32 to vector<16xi32>
        %eq3A_639 = arith.cmpi eq, %shift_right_arithmetic3A_537, %eq3A_638 : vector<16xi32>
        %jit3A_640 = arith.constant 0 : i32
        %broadcast_in_dim3A_641 = vector.broadcast %jit3A_640 : i32 to vector<16xi32>
        %select_n3A_642 = arith.select %eq3A_639, %or3A, %broadcast_in_dim3A_641 : vector<16xi1>, vector<16xi32>
        %select_n3A_643 = arith.select %gt3A_636, %broadcast_in_dim3A_9, %select_n3A_642 : vector<16xi1>, vector<16xi32>
        %and3A_644 = arith.andi %scan3A_529, %select_n3A_643 : vector<16xi32>
        %ne3A_645 = arith.constant 0 : i32
        %ne3A_646 = vector.broadcast %ne3A_645 : i32 to vector<16xi32>
        %ne3A_647 = arith.cmpi ne, %and3A_644, %ne3A_646 : vector<16xi32>
        %select_n3A_648 = arith.select %ne3A_647, %and3A_644, %broadcast_in_dim3A_7 : vector<16xi1>, vector<16xi32>
        %jit3A_649 = arith.constant 0 : i32
        %broadcast_in_dim3A_650 = vector.broadcast %jit3A_649 : i32 to vector<16xi32>
        %select_n3A_651 = arith.select %ne3A_647, %broadcast_in_dim3A_650, %broadcast_in_dim3A_634 : vector<16xi1>, vector<16xi32>
        %gt3A_652 = arith.constant 1 : i32
        %gt3A_653 = vector.broadcast %gt3A_652 : i32 to vector<16xi32>
        %gt3A_654 = arith.cmpi sgt, %shift_right_arithmetic3A_537, %gt3A_653 : vector<16xi32>
        %eq3A_655 = arith.constant 1 : i32
        %eq3A_656 = vector.broadcast %eq3A_655 : i32 to vector<16xi32>
        %eq3A_657 = arith.cmpi eq, %shift_right_arithmetic3A_537, %eq3A_656 : vector<16xi32>
        %jit3A_658 = arith.constant 0 : i32
        %broadcast_in_dim3A_659 = vector.broadcast %jit3A_658 : i32 to vector<16xi32>
        %select_n3A_660 = arith.select %eq3A_657, %or3A, %broadcast_in_dim3A_659 : vector<16xi1>, vector<16xi32>
        %select_n3A_661 = arith.select %gt3A_654, %broadcast_in_dim3A_9, %select_n3A_660 : vector<16xi1>, vector<16xi32>
        %and3A_662 = arith.andi %scan3A_530, %select_n3A_661 : vector<16xi32>
        %ne3A_663 = arith.constant 0 : i32
        %ne3A_664 = vector.broadcast %ne3A_663 : i32 to vector<16xi32>
        %ne3A_665 = arith.cmpi ne, %and3A_662, %ne3A_664 : vector<16xi32>
        %select_n3A_666 = arith.select %ne3A_665, %and3A_662, %select_n3A_648 : vector<16xi1>, vector<16xi32>
        %jit3A_667 = arith.constant 1 : i32
        %broadcast_in_dim3A_668 = vector.broadcast %jit3A_667 : i32 to vector<16xi32>
        %select_n3A_669 = arith.select %ne3A_665, %broadcast_in_dim3A_668, %select_n3A_651 : vector<16xi1>, vector<16xi32>
        %gt3A_670 = arith.constant 2 : i32
        %gt3A_671 = vector.broadcast %gt3A_670 : i32 to vector<16xi32>
        %gt3A_672 = arith.cmpi sgt, %shift_right_arithmetic3A_537, %gt3A_671 : vector<16xi32>
        %eq3A_673 = arith.constant 2 : i32
        %eq3A_674 = vector.broadcast %eq3A_673 : i32 to vector<16xi32>
        %eq3A_675 = arith.cmpi eq, %shift_right_arithmetic3A_537, %eq3A_674 : vector<16xi32>
        %jit3A_676 = arith.constant 0 : i32
        %broadcast_in_dim3A_677 = vector.broadcast %jit3A_676 : i32 to vector<16xi32>
        %select_n3A_678 = arith.select %eq3A_675, %or3A, %broadcast_in_dim3A_677 : vector<16xi1>, vector<16xi32>
        %select_n3A_679 = arith.select %gt3A_672, %broadcast_in_dim3A_9, %select_n3A_678 : vector<16xi1>, vector<16xi32>
        %and3A_680 = arith.andi %scan3A_531, %select_n3A_679 : vector<16xi32>
        %ne3A_681 = arith.constant 0 : i32
        %ne3A_682 = vector.broadcast %ne3A_681 : i32 to vector<16xi32>
        %ne3A_683 = arith.cmpi ne, %and3A_680, %ne3A_682 : vector<16xi32>
        %select_n3A_684 = arith.select %ne3A_683, %and3A_680, %select_n3A_666 : vector<16xi1>, vector<16xi32>
        %jit3A_685 = arith.constant 2 : i32
        %broadcast_in_dim3A_686 = vector.broadcast %jit3A_685 : i32 to vector<16xi32>
        %select_n3A_687 = arith.select %ne3A_683, %broadcast_in_dim3A_686, %select_n3A_669 : vector<16xi1>, vector<16xi32>
        %gt3A_688 = arith.constant 3 : i32
        %gt3A_689 = vector.broadcast %gt3A_688 : i32 to vector<16xi32>
        %gt3A_690 = arith.cmpi sgt, %shift_right_arithmetic3A_537, %gt3A_689 : vector<16xi32>
        %eq3A_691 = arith.constant 3 : i32
        %eq3A_692 = vector.broadcast %eq3A_691 : i32 to vector<16xi32>
        %eq3A_693 = arith.cmpi eq, %shift_right_arithmetic3A_537, %eq3A_692 : vector<16xi32>
        %jit3A_694 = arith.constant 0 : i32
        %broadcast_in_dim3A_695 = vector.broadcast %jit3A_694 : i32 to vector<16xi32>
        %select_n3A_696 = arith.select %eq3A_693, %or3A, %broadcast_in_dim3A_695 : vector<16xi1>, vector<16xi32>
        %select_n3A_697 = arith.select %gt3A_690, %broadcast_in_dim3A_9, %select_n3A_696 : vector<16xi1>, vector<16xi32>
        %and3A_698 = arith.andi %scan3A_532, %select_n3A_697 : vector<16xi32>
        %ne3A_699 = arith.constant 0 : i32
        %ne3A_700 = vector.broadcast %ne3A_699 : i32 to vector<16xi32>
        %ne3A_701 = arith.cmpi ne, %and3A_698, %ne3A_700 : vector<16xi32>
        %select_n3A_702 = arith.select %ne3A_701, %and3A_698, %select_n3A_684 : vector<16xi1>, vector<16xi32>
        %jit3A_703 = arith.constant 3 : i32
        %broadcast_in_dim3A_704 = vector.broadcast %jit3A_703 : i32 to vector<16xi32>
        %select_n3A_705 = arith.select %ne3A_701, %broadcast_in_dim3A_704, %select_n3A_687 : vector<16xi1>, vector<16xi32>
        %shift_right_logical3A = arith.constant 1 : i32
        %shift_right_logical3A_706 = vector.broadcast %shift_right_logical3A : i32 to vector<16xi32>
        %shift_right_logical3A_707 = arith.shrui %select_n3A_702, %shift_right_logical3A_706 : vector<16xi32>
        %or3A_708 = arith.ori %select_n3A_702, %shift_right_logical3A_707 : vector<16xi32>
        %shift_right_logical3A_709 = arith.constant 2 : i32
        %shift_right_logical3A_710 = vector.broadcast %shift_right_logical3A_709 : i32 to vector<16xi32>
        %shift_right_logical3A_711 = arith.shrui %or3A_708, %shift_right_logical3A_710 : vector<16xi32>
        %or3A_712 = arith.ori %or3A_708, %shift_right_logical3A_711 : vector<16xi32>
        %shift_right_logical3A_713 = arith.constant 4 : i32
        %shift_right_logical3A_714 = vector.broadcast %shift_right_logical3A_713 : i32 to vector<16xi32>
        %shift_right_logical3A_715 = arith.shrui %or3A_712, %shift_right_logical3A_714 : vector<16xi32>
        %or3A_716 = arith.ori %or3A_712, %shift_right_logical3A_715 : vector<16xi32>
        %shift_right_logical3A_717 = arith.constant 8 : i32
        %shift_right_logical3A_718 = vector.broadcast %shift_right_logical3A_717 : i32 to vector<16xi32>
        %shift_right_logical3A_719 = arith.shrui %or3A_716, %shift_right_logical3A_718 : vector<16xi32>
        %or3A_720 = arith.ori %or3A_716, %shift_right_logical3A_719 : vector<16xi32>
        %shift_right_logical3A_721 = arith.constant 16 : i32
        %shift_right_logical3A_722 = vector.broadcast %shift_right_logical3A_721 : i32 to vector<16xi32>
        %shift_right_logical3A_723 = arith.shrui %or3A_720, %shift_right_logical3A_722 : vector<16xi32>
        %or3A_724 = arith.ori %or3A_720, %shift_right_logical3A_723 : vector<16xi32>
        %mul3A_725 = arith.constant 32 : i32
        %mul3A_726 = vector.broadcast %mul3A_725 : i32 to vector<16xi32>
        %mul3A_727 = arith.muli %select_n3A_705, %mul3A_726 : vector<16xi32>
        %shift_right_logical3A_728 = arith.constant 1 : i32
        %shift_right_logical3A_729 = vector.broadcast %shift_right_logical3A_728 : i32 to vector<16xi32>
        %shift_right_logical3A_730 = arith.shrui %or3A_724, %shift_right_logical3A_729 : vector<16xi32>
        %xor3A = arith.xori %or3A_724, %shift_right_logical3A_730 : vector<16xi32>
        %convert_element_type3A_731 = arith.sitofp %xor3A : vector<16xi32> to vector<16xf32>
        %bitcast_convert_type3A_732 = tpu.bitcast %convert_element_type3A_731 : vector<16xf32> -> vector<16xi32>
        %shift_right_arithmetic3A_733 = arith.constant 23 : i32
        %shift_right_arithmetic3A_734 = vector.broadcast %shift_right_arithmetic3A_733 : i32 to vector<16xi32>
        %shift_right_arithmetic3A_735 = arith.shrsi %bitcast_convert_type3A_732, %shift_right_arithmetic3A_734 : vector<16xi32>
        %and3A_736 = arith.constant 255 : i32
        %and3A_737 = vector.broadcast %and3A_736 : i32 to vector<16xi32>
        %and3A_738 = arith.andi %shift_right_arithmetic3A_735, %and3A_737 : vector<16xi32>
        %sub3A_739 = arith.constant 127 : i32
        %sub3A_740 = vector.broadcast %sub3A_739 : i32 to vector<16xi32>
        %sub3A_741 = arith.subi %and3A_738, %sub3A_740 : vector<16xi32>
        %add3A_742 = arith.addi %mul3A_727, %sub3A_741 : vector<16xi32>
        %lt3A_743 = arith.constant 128 : i32
        %lt3A_744 = vector.broadcast %lt3A_743 : i32 to vector<16xi32>
        %lt3A_745 = arith.cmpi slt, %add3A_632, %lt3A_744 : vector<16xi32>
        %sub3A_746 = arith.subi %add3A_632, %gather3A : vector<16xi32>
        %jit3A_747 = arith.constant 1048576 : i32
        %broadcast_in_dim3A_748 = vector.broadcast %jit3A_747 : i32 to vector<16xi32>
        %select_n3A_749 = arith.select %lt3A_745, %sub3A_746, %broadcast_in_dim3A_748 : vector<16xi1>, vector<16xi32>
        %ge3A = arith.constant 0 : i32
        %ge3A_750 = vector.broadcast %ge3A : i32 to vector<16xi32>
        %ge3A_751 = arith.cmpi sge, %add3A_742, %ge3A_750 : vector<16xi32>
        %sub3A_752 = arith.subi %gather3A, %add3A_742 : vector<16xi32>
        %jit3A_753 = arith.constant 1048576 : i32
        %broadcast_in_dim3A_754 = vector.broadcast %jit3A_753 : i32 to vector<16xi32>
        %select_n3A_755 = arith.select %ge3A_751, %sub3A_752, %broadcast_in_dim3A_754 : vector<16xi1>, vector<16xi32>
        %le3A = arith.cmpi sle, %select_n3A_749, %select_n3A_755 : vector<16xi32>
        %select_n3A_756 = arith.select %le3A, %add3A_632, %add3A_742 : vector<16xi1>, vector<16xi32>
        %jit3A_757 = arith.constant 0 : i32
        %jit3A_758 = arith.constant 127 : i32
        %max3A = vector.broadcast %jit3A_757 : i32 to vector<16xi32>
        %max3A_759 = arith.maxsi %max3A, %select_n3A_756 : vector<16xi32>
        %min3A = vector.broadcast %jit3A_758 : i32 to vector<16xi32>
        %min3A_760 = arith.minsi %min3A, %max3A_759 : vector<16xi32>
        %ge3A_761 = arith.constant 0 : i32
        %ge3A_762 = vector.broadcast %ge3A_761 : i32 to vector<16xi32>
        %ge3A_763 = arith.cmpi sge, %gather3A, %ge3A_762 : vector<16xi32>
        tpu.vector_store_idx %arg7[%iota3A, %min3A_760], %gather3A_535 masked %ge3A_763 : memref<16x128xf32, #tpu.memory_space<vmem>>[vector<16xi32>, vector<16xi32>], vector<16xf32>, vector<16xi1>
        %shift_right_arithmetic3A_764 = arith.constant 5 : i32
        %shift_right_arithmetic3A_765 = vector.broadcast %shift_right_arithmetic3A_764 : i32 to vector<16xi32>
        %shift_right_arithmetic3A_766 = arith.shrsi %min3A_760, %shift_right_arithmetic3A_765 : vector<16xi32>
        %and3A_767 = arith.constant 31 : i32
        %and3A_768 = vector.broadcast %and3A_767 : i32 to vector<16xi32>
        %and3A_769 = arith.andi %min3A_760, %and3A_768 : vector<16xi32>
        %shift_left3A_770 = arith.shli %broadcast_in_dim3A_7, %and3A_769 : vector<16xi32>
        %select_n3A_771 = arith.select %ge3A_763, %shift_left3A_770, %broadcast_in_dim3A_5 : vector<16xi1>, vector<16xi32>
        %eq3A_772 = arith.constant 0 : i32
        %eq3A_773 = vector.broadcast %eq3A_772 : i32 to vector<16xi32>
        %eq3A_774 = arith.cmpi eq, %shift_right_arithmetic3A_766, %eq3A_773 : vector<16xi32>
        %not3A = arith.constant dense<-1> : vector<16xi32>
        %not3A_775 = arith.xori %select_n3A_771, %not3A : vector<16xi32>
        %and3A_776 = arith.andi %scan3A_529, %not3A_775 : vector<16xi32>
        %select_n3A_777 = arith.select %eq3A_774, %and3A_776, %scan3A_529 : vector<16xi1>, vector<16xi32>
        %eq3A_778 = arith.constant 1 : i32
        %eq3A_779 = vector.broadcast %eq3A_778 : i32 to vector<16xi32>
        %eq3A_780 = arith.cmpi eq, %shift_right_arithmetic3A_766, %eq3A_779 : vector<16xi32>
        %not3A_781 = arith.constant dense<-1> : vector<16xi32>
        %not3A_782 = arith.xori %select_n3A_771, %not3A_781 : vector<16xi32>
        %and3A_783 = arith.andi %scan3A_530, %not3A_782 : vector<16xi32>
        %select_n3A_784 = arith.select %eq3A_780, %and3A_783, %scan3A_530 : vector<16xi1>, vector<16xi32>
        %eq3A_785 = arith.constant 2 : i32
        %eq3A_786 = vector.broadcast %eq3A_785 : i32 to vector<16xi32>
        %eq3A_787 = arith.cmpi eq, %shift_right_arithmetic3A_766, %eq3A_786 : vector<16xi32>
        %not3A_788 = arith.constant dense<-1> : vector<16xi32>
        %not3A_789 = arith.xori %select_n3A_771, %not3A_788 : vector<16xi32>
        %and3A_790 = arith.andi %scan3A_531, %not3A_789 : vector<16xi32>
        %select_n3A_791 = arith.select %eq3A_787, %and3A_790, %scan3A_531 : vector<16xi1>, vector<16xi32>
        %eq3A_792 = arith.constant 3 : i32
        %eq3A_793 = vector.broadcast %eq3A_792 : i32 to vector<16xi32>
        %eq3A_794 = arith.cmpi eq, %shift_right_arithmetic3A_766, %eq3A_793 : vector<16xi32>
        %not3A_795 = arith.constant dense<-1> : vector<16xi32>
        %not3A_796 = arith.xori %select_n3A_771, %not3A_795 : vector<16xi32>
        %and3A_797 = arith.andi %scan3A_532, %not3A_796 : vector<16xi32>
        %select_n3A_798 = arith.select %eq3A_794, %and3A_797, %scan3A_532 : vector<16xi1>, vector<16xi32>
        scf.yield %select_n3A_777, %select_n3A_784, %select_n3A_791, %select_n3A_798 : vector<16xi32>, vector<16xi32>, vector<16xi32>, vector<16xi32>
      }
      %scan3A_527 = arith.constant 128 : i32
      "tpu.region"() ({
        %run_scoped3A = tpu.sem_alloc : memref<!tpu.dma_semaphore, #tpu.memory_space<semaphore_mem>>
        %dma_start3A = arith.constant 0 : i32
        %dma_start3A_528 = tpu.memref_slice %arg4[%mul3A_4, %dma_start3A] : memref<256x128xf32, #tpu.memory_space<hbm>> -> memref<16x128xf32, #tpu.memory_space<hbm>>
        %dma_start3A_529 = arith.constant 0 : i32
        %dma_start3A_530 = tpu.memref_slice %arg4[%mul3A_4, %dma_start3A_529] : memref<256x128xf32, #tpu.memory_space<hbm>> -> memref<16x128xf32, #tpu.memory_space<hbm>>
        tpu.enqueue_dma source(%arg7 : memref<16x128xf32, #tpu.memory_space<vmem>>) target(%dma_start3A_530 : memref<16x128xf32, #tpu.memory_space<hbm>>) target_semaphore(%run_scoped3A : memref<!tpu.dma_semaphore, #tpu.memory_space<semaphore_mem>>)
        %dma_wait3A = arith.constant 0 : i32
        %dma_wait3A_531 = tpu.memref_slice %arg4[%mul3A_4, %dma_wait3A] : memref<256x128xf32, #tpu.memory_space<hbm>> -> memref<16x128xf32, #tpu.memory_space<hbm>>
        %dma_wait3A_532 = arith.constant 0 : i32
        %dma_wait3A_533 = tpu.memref_slice %arg4[%mul3A_4, %dma_wait3A_532] : memref<256x128xf32, #tpu.memory_space<hbm>> -> memref<16x128xf32, #tpu.memory_space<hbm>>
        tpu.wait_dma2 semaphore(%run_scoped3A : memref<!tpu.dma_semaphore, #tpu.memory_space<semaphore_mem>>) src(%arg7 : memref<16x128xf32, #tpu.memory_space<vmem>>) dst(%dma_wait3A_533 : memref<16x128xf32, #tpu.memory_space<hbm>>)
        tpu.yield
      }) : () -> ()
    } else {
    }
    return
  }
}

module attributes {stable_mosaic.version = 14 : i64} {
  func.func @_best_kernel(%arg0: memref<256x128xf32, #tpu.memory_space<vmem>>, %arg1: memref<256x128xf32, #tpu.memory_space<vmem>>, %arg2: memref<256x128xi32, #tpu.memory_space<vmem>>, %arg3: memref<128x256xf32, #tpu.memory_space<vmem>>, %arg4: memref<128x256xf32, #tpu.memory_space<vmem>>, %arg5: memref<128x256xi32, #tpu.memory_space<vmem>>) attributes {dimension_semantics = [], scalar_prefetch = 0 : i64, scratch_operands = 3 : i64, tpu.core_type = #tpu.core_type<tc>} {
    %get3A = arith.constant 0 : index
    %get3A_0 = arith.constant 0 : index
    %get3A_1 = vector.load %arg0[%get3A, %get3A_0] : memref<256x128xf32, #tpu.memory_space<vmem>>, vector<256x128xf32>
    %transpose3A = tpu.transpose %get3A_1, [1, 0] : vector<256x128xf32> -> vector<128x256xf32>
    %swap3A = arith.constant 0 : index
    %swap3A_2 = arith.constant 0 : index
    %swap3A_3 = vector.load %arg3[%swap3A, %swap3A_2] : memref<128x256xf32, #tpu.memory_space<vmem>>, vector<128x256xf32>
    tpu.vector_store %arg3[%swap3A, %swap3A_2], %transpose3A {strides = array<i32>} : memref<128x256xf32, #tpu.memory_space<vmem>>, vector<128x256xf32>,
    %get3A_4 = arith.constant 0 : index
    %get3A_5 = arith.constant 0 : index
    %get3A_6 = vector.load %arg1[%get3A_4, %get3A_5] : memref<256x128xf32, #tpu.memory_space<vmem>>, vector<256x128xf32>
    %ne3A = arith.constant 0.000000e+00 : f32
    %ne3A_7 = vector.broadcast %ne3A : f32 to vector<256x128xf32>
    %ne3A_8 = arith.cmpf one, %get3A_6, %ne3A_7 : vector<256x128xf32>
    %jit3A = arith.constant 0x7F800000 : f32
    %broadcast_in_dim3A = vector.broadcast %jit3A : f32 to vector<256x128xf32>
    %select_n3A = arith.select %ne3A_8, %get3A_6, %broadcast_in_dim3A : vector<256x128xi1>, vector<256x128xf32>
    %transpose3A_9 = tpu.transpose %select_n3A, [1, 0] : vector<256x128xf32> -> vector<128x256xf32>
    %swap3A_10 = arith.constant 0 : index
    %swap3A_11 = arith.constant 0 : index
    %swap3A_12 = vector.load %arg4[%swap3A_10, %swap3A_11] : memref<128x256xf32, #tpu.memory_space<vmem>>, vector<128x256xf32>
    tpu.vector_store %arg4[%swap3A_10, %swap3A_11], %transpose3A_9 {strides = array<i32>} : memref<128x256xf32, #tpu.memory_space<vmem>>, vector<128x256xf32>,
    %get3A_13 = arith.constant 0 : index
    %get3A_14 = arith.constant 0 : index
    %get3A_15 = vector.load %arg4[%get3A_13, %get3A_14] : memref<128x256xf32, #tpu.memory_space<vmem>>, vector<128x256xf32>
    %ne3A_16 = arith.constant 0x7F800000 : f32
    %ne3A_17 = vector.broadcast %ne3A_16 : f32 to vector<128x256xf32>
    %ne3A_18 = arith.cmpf one, %get3A_15, %ne3A_17 : vector<128x256xf32>
    %reduce_or3A = arith.constant 1.000000e+00 : f32
    %reduce_or3A_19 = arith.constant 0.000000e+00 : f32
    %reduce_or3A_20 = vector.broadcast %reduce_or3A : f32 to vector<128x256xf32>
    %reduce_or3A_21 = vector.broadcast %reduce_or3A_19 : f32 to vector<128x256xf32>
    %reduce_or3A_22 = arith.select %ne3A_18, %reduce_or3A_20, %reduce_or3A_21 : vector<128x256xi1>, vector<128x256xf32>
    %reduce_or3A_23 = arith.constant dense<0xFF800000> : vector<256xf32>
    %reduce_or3A_24 = vector.multi_reduction <maximumf>, %reduce_or3A_22, %reduce_or3A_23 [0] : vector<128x256xf32> to vector<256xf32>
    %reduce_or3A_25 = arith.constant 0.000000e+00 : f32
    %reduce_or3A_26 = vector.broadcast %reduce_or3A_25 : f32 to vector<256xf32>
    %reduce_or3A_27 = arith.cmpf ogt, %reduce_or3A_24, %reduce_or3A_26 : vector<256xf32>
    %broadcast_in_dim3A_28 = vector.shape_cast %reduce_or3A_27 : vector<256xi1> to vector<1x256xi1>
    %iota3A = tpu.iota {dimensions = array<i32: 0>} : vector<128x256xi32>
    %scan3A = arith.constant 0 : i32
    %scan3A_29 = arith.constant 16 : i32
    %scan3A_30 = arith.addi %scan3A, %scan3A_29 : i32
    %scan3A_31 = arith.constant 1 : i32
    scf.for %scan3A_40 = %scan3A to %scan3A_30 step %scan3A_31  : i32 {
      %mul3A = arith.constant 8 : i32
      %mul3A_41 = arith.muli %scan3A_40, %mul3A : i32
      %add3A = arith.constant 0 : i32
      %add3A_42 = arith.addi %mul3A_41, %add3A : i32
      %get3A_43 = arith.index_cast %add3A_42 : i32 to index
      %get3A_44 = arith.constant 0 : index
      %get3A_45 = vector.load %arg3[%get3A_43, %get3A_44] : memref<128x256xf32, #tpu.memory_space<vmem>>, vector<1x256xf32>
      %sub3A = vector.broadcast %get3A_45 : vector<1x256xf32> to vector<128x256xf32>
      %sub3A_46 = arith.subf %get3A_15, %sub3A : vector<128x256xf32>
      %abs3A = math.absf %sub3A_46 : vector<128x256xf32>
      %reduce_min3A = arith.constant dense<0x7F800000> : vector<256xf32>
      %reduce_min3A_47 = vector.multi_reduction <minimumf>, %abs3A, %reduce_min3A [0] : vector<128x256xf32> to vector<256xf32>
      %broadcast_in_dim3A_48 = vector.shape_cast %reduce_min3A_47 : vector<256xf32> to vector<1x256xf32>
      %eq3A = vector.broadcast %broadcast_in_dim3A_48 : vector<1x256xf32> to vector<128x256xf32>
      %eq3A_49 = arith.cmpf oeq, %abs3A, %eq3A : vector<128x256xf32>
      %jit3A_50 = arith.constant 128 : i32
      %broadcast_in_dim3A_51 = vector.broadcast %jit3A_50 : i32 to vector<128x256xi32>
      %select_n3A_52 = arith.select %eq3A_49, %iota3A, %broadcast_in_dim3A_51 : vector<128x256xi1>, vector<128x256xi32>
      %reduce_min3A_53 = arith.constant dense<2147483647> : vector<256xi32>
      %reduce_min3A_54 = vector.multi_reduction <minsi>, %select_n3A_52, %reduce_min3A_53 [0] : vector<128x256xi32> to vector<256xi32>
      %broadcast_in_dim3A_55 = vector.shape_cast %reduce_min3A_54 : vector<256xi32> to vector<1x256xi32>
      %broadcast_in_dim3A_56 = vector.broadcast %add3A_42 : i32 to vector<1x256xi32>
      %select_n3A_57 = arith.select %broadcast_in_dim3A_28, %broadcast_in_dim3A_55, %broadcast_in_dim3A_56 : vector<1x256xi1>, vector<1x256xi32>
      %ne3A_58 = arith.constant 0.000000e+00 : f32
      %ne3A_59 = vector.broadcast %ne3A_58 : f32 to vector<1x256xf32>
      %ne3A_60 = arith.cmpf one, %get3A_45, %ne3A_59 : vector<1x256xf32>
      %jit3A_61 = arith.constant -1 : i32
      %broadcast_in_dim3A_62 = vector.broadcast %jit3A_61 : i32 to vector<1x256xi32>
      %select_n3A_63 = arith.select %ne3A_60, %select_n3A_57, %broadcast_in_dim3A_62 : vector<1x256xi1>, vector<1x256xi32>
      %swap3A_64 = arith.index_cast %add3A_42 : i32 to index
      %swap3A_65 = arith.constant 0 : index
      %swap3A_66 = vector.load %arg5[%swap3A_64, %swap3A_65] : memref<128x256xi32, #tpu.memory_space<vmem>>, vector<1x256xi32>
      tpu.vector_store %arg5[%swap3A_64, %swap3A_65], %select_n3A_63 {strides = array<i32>} : memref<128x256xi32, #tpu.memory_space<vmem>>, vector<1x256xi32>,
      %mul3A_67 = arith.constant 8 : i32
      %mul3A_68 = arith.muli %scan3A_40, %mul3A_67 : i32
      %add3A_69 = arith.constant 1 : i32
      %add3A_70 = arith.addi %mul3A_68, %add3A_69 : i32
      %get3A_71 = arith.index_cast %add3A_70 : i32 to index
      %get3A_72 = arith.constant 0 : index
      %get3A_73 = vector.load %arg3[%get3A_71, %get3A_72] : memref<128x256xf32, #tpu.memory_space<vmem>>, vector<1x256xf32>
      %sub3A_74 = vector.broadcast %get3A_73 : vector<1x256xf32> to vector<128x256xf32>
      %sub3A_75 = arith.subf %get3A_15, %sub3A_74 : vector<128x256xf32>
      %abs3A_76 = math.absf %sub3A_75 : vector<128x256xf32>
      %reduce_min3A_77 = arith.constant dense<0x7F800000> : vector<256xf32>
      %reduce_min3A_78 = vector.multi_reduction <minimumf>, %abs3A_76, %reduce_min3A_77 [0] : vector<128x256xf32> to vector<256xf32>
      %broadcast_in_dim3A_79 = vector.shape_cast %reduce_min3A_78 : vector<256xf32> to vector<1x256xf32>
      %eq3A_80 = vector.broadcast %broadcast_in_dim3A_79 : vector<1x256xf32> to vector<128x256xf32>
      %eq3A_81 = arith.cmpf oeq, %abs3A_76, %eq3A_80 : vector<128x256xf32>
      %jit3A_82 = arith.constant 128 : i32
      %broadcast_in_dim3A_83 = vector.broadcast %jit3A_82 : i32 to vector<128x256xi32>
      %select_n3A_84 = arith.select %eq3A_81, %iota3A, %broadcast_in_dim3A_83 : vector<128x256xi1>, vector<128x256xi32>
      %reduce_min3A_85 = arith.constant dense<2147483647> : vector<256xi32>
      %reduce_min3A_86 = vector.multi_reduction <minsi>, %select_n3A_84, %reduce_min3A_85 [0] : vector<128x256xi32> to vector<256xi32>
      %broadcast_in_dim3A_87 = vector.shape_cast %reduce_min3A_86 : vector<256xi32> to vector<1x256xi32>
      %broadcast_in_dim3A_88 = vector.broadcast %add3A_70 : i32 to vector<1x256xi32>
      %select_n3A_89 = arith.select %broadcast_in_dim3A_28, %broadcast_in_dim3A_87, %broadcast_in_dim3A_88 : vector<1x256xi1>, vector<1x256xi32>
      %ne3A_90 = arith.constant 0.000000e+00 : f32
      %ne3A_91 = vector.broadcast %ne3A_90 : f32 to vector<1x256xf32>
      %ne3A_92 = arith.cmpf one, %get3A_73, %ne3A_91 : vector<1x256xf32>
      %jit3A_93 = arith.constant -1 : i32
      %broadcast_in_dim3A_94 = vector.broadcast %jit3A_93 : i32 to vector<1x256xi32>
      %select_n3A_95 = arith.select %ne3A_92, %select_n3A_89, %broadcast_in_dim3A_94 : vector<1x256xi1>, vector<1x256xi32>
      %swap3A_96 = arith.index_cast %add3A_70 : i32 to index
      %swap3A_97 = arith.constant 0 : index
      %swap3A_98 = vector.load %arg5[%swap3A_96, %swap3A_97] : memref<128x256xi32, #tpu.memory_space<vmem>>, vector<1x256xi32>
      tpu.vector_store %arg5[%swap3A_96, %swap3A_97], %select_n3A_95 {strides = array<i32>} : memref<128x256xi32, #tpu.memory_space<vmem>>, vector<1x256xi32>,
      %mul3A_99 = arith.constant 8 : i32
      %mul3A_100 = arith.muli %scan3A_40, %mul3A_99 : i32
      %add3A_101 = arith.constant 2 : i32
      %add3A_102 = arith.addi %mul3A_100, %add3A_101 : i32
      %get3A_103 = arith.index_cast %add3A_102 : i32 to index
      %get3A_104 = arith.constant 0 : index
      %get3A_105 = vector.load %arg3[%get3A_103, %get3A_104] : memref<128x256xf32, #tpu.memory_space<vmem>>, vector<1x256xf32>
      %sub3A_106 = vector.broadcast %get3A_105 : vector<1x256xf32> to vector<128x256xf32>
      %sub3A_107 = arith.subf %get3A_15, %sub3A_106 : vector<128x256xf32>
      %abs3A_108 = math.absf %sub3A_107 : vector<128x256xf32>
      %reduce_min3A_109 = arith.constant dense<0x7F800000> : vector<256xf32>
      %reduce_min3A_110 = vector.multi_reduction <minimumf>, %abs3A_108, %reduce_min3A_109 [0] : vector<128x256xf32> to vector<256xf32>
      %broadcast_in_dim3A_111 = vector.shape_cast %reduce_min3A_110 : vector<256xf32> to vector<1x256xf32>
      %eq3A_112 = vector.broadcast %broadcast_in_dim3A_111 : vector<1x256xf32> to vector<128x256xf32>
      %eq3A_113 = arith.cmpf oeq, %abs3A_108, %eq3A_112 : vector<128x256xf32>
      %jit3A_114 = arith.constant 128 : i32
      %broadcast_in_dim3A_115 = vector.broadcast %jit3A_114 : i32 to vector<128x256xi32>
      %select_n3A_116 = arith.select %eq3A_113, %iota3A, %broadcast_in_dim3A_115 : vector<128x256xi1>, vector<128x256xi32>
      %reduce_min3A_117 = arith.constant dense<2147483647> : vector<256xi32>
      %reduce_min3A_118 = vector.multi_reduction <minsi>, %select_n3A_116, %reduce_min3A_117 [0] : vector<128x256xi32> to vector<256xi32>
      %broadcast_in_dim3A_119 = vector.shape_cast %reduce_min3A_118 : vector<256xi32> to vector<1x256xi32>
      %broadcast_in_dim3A_120 = vector.broadcast %add3A_102 : i32 to vector<1x256xi32>
      %select_n3A_121 = arith.select %broadcast_in_dim3A_28, %broadcast_in_dim3A_119, %broadcast_in_dim3A_120 : vector<1x256xi1>, vector<1x256xi32>
      %ne3A_122 = arith.constant 0.000000e+00 : f32
      %ne3A_123 = vector.broadcast %ne3A_122 : f32 to vector<1x256xf32>
      %ne3A_124 = arith.cmpf one, %get3A_105, %ne3A_123 : vector<1x256xf32>
      %jit3A_125 = arith.constant -1 : i32
      %broadcast_in_dim3A_126 = vector.broadcast %jit3A_125 : i32 to vector<1x256xi32>
      %select_n3A_127 = arith.select %ne3A_124, %select_n3A_121, %broadcast_in_dim3A_126 : vector<1x256xi1>, vector<1x256xi32>
      %swap3A_128 = arith.index_cast %add3A_102 : i32 to index
      %swap3A_129 = arith.constant 0 : index
      %swap3A_130 = vector.load %arg5[%swap3A_128, %swap3A_129] : memref<128x256xi32, #tpu.memory_space<vmem>>, vector<1x256xi32>
      tpu.vector_store %arg5[%swap3A_128, %swap3A_129], %select_n3A_127 {strides = array<i32>} : memref<128x256xi32, #tpu.memory_space<vmem>>, vector<1x256xi32>,
      %mul3A_131 = arith.constant 8 : i32
      %mul3A_132 = arith.muli %scan3A_40, %mul3A_131 : i32
      %add3A_133 = arith.constant 3 : i32
      %add3A_134 = arith.addi %mul3A_132, %add3A_133 : i32
      %get3A_135 = arith.index_cast %add3A_134 : i32 to index
      %get3A_136 = arith.constant 0 : index
      %get3A_137 = vector.load %arg3[%get3A_135, %get3A_136] : memref<128x256xf32, #tpu.memory_space<vmem>>, vector<1x256xf32>
      %sub3A_138 = vector.broadcast %get3A_137 : vector<1x256xf32> to vector<128x256xf32>
      %sub3A_139 = arith.subf %get3A_15, %sub3A_138 : vector<128x256xf32>
      %abs3A_140 = math.absf %sub3A_139 : vector<128x256xf32>
      %reduce_min3A_141 = arith.constant dense<0x7F800000> : vector<256xf32>
      %reduce_min3A_142 = vector.multi_reduction <minimumf>, %abs3A_140, %reduce_min3A_141 [0] : vector<128x256xf32> to vector<256xf32>
      %broadcast_in_dim3A_143 = vector.shape_cast %reduce_min3A_142 : vector<256xf32> to vector<1x256xf32>
      %eq3A_144 = vector.broadcast %broadcast_in_dim3A_143 : vector<1x256xf32> to vector<128x256xf32>
      %eq3A_145 = arith.cmpf oeq, %abs3A_140, %eq3A_144 : vector<128x256xf32>
      %jit3A_146 = arith.constant 128 : i32
      %broadcast_in_dim3A_147 = vector.broadcast %jit3A_146 : i32 to vector<128x256xi32>
      %select_n3A_148 = arith.select %eq3A_145, %iota3A, %broadcast_in_dim3A_147 : vector<128x256xi1>, vector<128x256xi32>
      %reduce_min3A_149 = arith.constant dense<2147483647> : vector<256xi32>
      %reduce_min3A_150 = vector.multi_reduction <minsi>, %select_n3A_148, %reduce_min3A_149 [0] : vector<128x256xi32> to vector<256xi32>
      %broadcast_in_dim3A_151 = vector.shape_cast %reduce_min3A_150 : vector<256xi32> to vector<1x256xi32>
      %broadcast_in_dim3A_152 = vector.broadcast %add3A_134 : i32 to vector<1x256xi32>
      %select_n3A_153 = arith.select %broadcast_in_dim3A_28, %broadcast_in_dim3A_151, %broadcast_in_dim3A_152 : vector<1x256xi1>, vector<1x256xi32>
      %ne3A_154 = arith.constant 0.000000e+00 : f32
      %ne3A_155 = vector.broadcast %ne3A_154 : f32 to vector<1x256xf32>
      %ne3A_156 = arith.cmpf one, %get3A_137, %ne3A_155 : vector<1x256xf32>
      %jit3A_157 = arith.constant -1 : i32
      %broadcast_in_dim3A_158 = vector.broadcast %jit3A_157 : i32 to vector<1x256xi32>
      %select_n3A_159 = arith.select %ne3A_156, %select_n3A_153, %broadcast_in_dim3A_158 : vector<1x256xi1>, vector<1x256xi32>
      %swap3A_160 = arith.index_cast %add3A_134 : i32 to index
      %swap3A_161 = arith.constant 0 : index
      %swap3A_162 = vector.load %arg5[%swap3A_160, %swap3A_161] : memref<128x256xi32, #tpu.memory_space<vmem>>, vector<1x256xi32>
      tpu.vector_store %arg5[%swap3A_160, %swap3A_161], %select_n3A_159 {strides = array<i32>} : memref<128x256xi32, #tpu.memory_space<vmem>>, vector<1x256xi32>,
      %mul3A_163 = arith.constant 8 : i32
      %mul3A_164 = arith.muli %scan3A_40, %mul3A_163 : i32
      %add3A_165 = arith.constant 4 : i32
      %add3A_166 = arith.addi %mul3A_164, %add3A_165 : i32
      %get3A_167 = arith.index_cast %add3A_166 : i32 to index
      %get3A_168 = arith.constant 0 : index
      %get3A_169 = vector.load %arg3[%get3A_167, %get3A_168] : memref<128x256xf32, #tpu.memory_space<vmem>>, vector<1x256xf32>
      %sub3A_170 = vector.broadcast %get3A_169 : vector<1x256xf32> to vector<128x256xf32>
      %sub3A_171 = arith.subf %get3A_15, %sub3A_170 : vector<128x256xf32>
      %abs3A_172 = math.absf %sub3A_171 : vector<128x256xf32>
      %reduce_min3A_173 = arith.constant dense<0x7F800000> : vector<256xf32>
      %reduce_min3A_174 = vector.multi_reduction <minimumf>, %abs3A_172, %reduce_min3A_173 [0] : vector<128x256xf32> to vector<256xf32>
      %broadcast_in_dim3A_175 = vector.shape_cast %reduce_min3A_174 : vector<256xf32> to vector<1x256xf32>
      %eq3A_176 = vector.broadcast %broadcast_in_dim3A_175 : vector<1x256xf32> to vector<128x256xf32>
      %eq3A_177 = arith.cmpf oeq, %abs3A_172, %eq3A_176 : vector<128x256xf32>
      %jit3A_178 = arith.constant 128 : i32
      %broadcast_in_dim3A_179 = vector.broadcast %jit3A_178 : i32 to vector<128x256xi32>
      %select_n3A_180 = arith.select %eq3A_177, %iota3A, %broadcast_in_dim3A_179 : vector<128x256xi1>, vector<128x256xi32>
      %reduce_min3A_181 = arith.constant dense<2147483647> : vector<256xi32>
      %reduce_min3A_182 = vector.multi_reduction <minsi>, %select_n3A_180, %reduce_min3A_181 [0] : vector<128x256xi32> to vector<256xi32>
      %broadcast_in_dim3A_183 = vector.shape_cast %reduce_min3A_182 : vector<256xi32> to vector<1x256xi32>
      %broadcast_in_dim3A_184 = vector.broadcast %add3A_166 : i32 to vector<1x256xi32>
      %select_n3A_185 = arith.select %broadcast_in_dim3A_28, %broadcast_in_dim3A_183, %broadcast_in_dim3A_184 : vector<1x256xi1>, vector<1x256xi32>
      %ne3A_186 = arith.constant 0.000000e+00 : f32
      %ne3A_187 = vector.broadcast %ne3A_186 : f32 to vector<1x256xf32>
      %ne3A_188 = arith.cmpf one, %get3A_169, %ne3A_187 : vector<1x256xf32>
      %jit3A_189 = arith.constant -1 : i32
      %broadcast_in_dim3A_190 = vector.broadcast %jit3A_189 : i32 to vector<1x256xi32>
      %select_n3A_191 = arith.select %ne3A_188, %select_n3A_185, %broadcast_in_dim3A_190 : vector<1x256xi1>, vector<1x256xi32>
      %swap3A_192 = arith.index_cast %add3A_166 : i32 to index
      %swap3A_193 = arith.constant 0 : index
      %swap3A_194 = vector.load %arg5[%swap3A_192, %swap3A_193] : memref<128x256xi32, #tpu.memory_space<vmem>>, vector<1x256xi32>
      tpu.vector_store %arg5[%swap3A_192, %swap3A_193], %select_n3A_191 {strides = array<i32>} : memref<128x256xi32, #tpu.memory_space<vmem>>, vector<1x256xi32>,
      %mul3A_195 = arith.constant 8 : i32
      %mul3A_196 = arith.muli %scan3A_40, %mul3A_195 : i32
      %add3A_197 = arith.constant 5 : i32
      %add3A_198 = arith.addi %mul3A_196, %add3A_197 : i32
      %get3A_199 = arith.index_cast %add3A_198 : i32 to index
      %get3A_200 = arith.constant 0 : index
      %get3A_201 = vector.load %arg3[%get3A_199, %get3A_200] : memref<128x256xf32, #tpu.memory_space<vmem>>, vector<1x256xf32>
      %sub3A_202 = vector.broadcast %get3A_201 : vector<1x256xf32> to vector<128x256xf32>
      %sub3A_203 = arith.subf %get3A_15, %sub3A_202 : vector<128x256xf32>
      %abs3A_204 = math.absf %sub3A_203 : vector<128x256xf32>
      %reduce_min3A_205 = arith.constant dense<0x7F800000> : vector<256xf32>
      %reduce_min3A_206 = vector.multi_reduction <minimumf>, %abs3A_204, %reduce_min3A_205 [0] : vector<128x256xf32> to vector<256xf32>
      %broadcast_in_dim3A_207 = vector.shape_cast %reduce_min3A_206 : vector<256xf32> to vector<1x256xf32>
      %eq3A_208 = vector.broadcast %broadcast_in_dim3A_207 : vector<1x256xf32> to vector<128x256xf32>
      %eq3A_209 = arith.cmpf oeq, %abs3A_204, %eq3A_208 : vector<128x256xf32>
      %jit3A_210 = arith.constant 128 : i32
      %broadcast_in_dim3A_211 = vector.broadcast %jit3A_210 : i32 to vector<128x256xi32>
      %select_n3A_212 = arith.select %eq3A_209, %iota3A, %broadcast_in_dim3A_211 : vector<128x256xi1>, vector<128x256xi32>
      %reduce_min3A_213 = arith.constant dense<2147483647> : vector<256xi32>
      %reduce_min3A_214 = vector.multi_reduction <minsi>, %select_n3A_212, %reduce_min3A_213 [0] : vector<128x256xi32> to vector<256xi32>
      %broadcast_in_dim3A_215 = vector.shape_cast %reduce_min3A_214 : vector<256xi32> to vector<1x256xi32>
      %broadcast_in_dim3A_216 = vector.broadcast %add3A_198 : i32 to vector<1x256xi32>
      %select_n3A_217 = arith.select %broadcast_in_dim3A_28, %broadcast_in_dim3A_215, %broadcast_in_dim3A_216 : vector<1x256xi1>, vector<1x256xi32>
      %ne3A_218 = arith.constant 0.000000e+00 : f32
      %ne3A_219 = vector.broadcast %ne3A_218 : f32 to vector<1x256xf32>
      %ne3A_220 = arith.cmpf one, %get3A_201, %ne3A_219 : vector<1x256xf32>
      %jit3A_221 = arith.constant -1 : i32
      %broadcast_in_dim3A_222 = vector.broadcast %jit3A_221 : i32 to vector<1x256xi32>
      %select_n3A_223 = arith.select %ne3A_220, %select_n3A_217, %broadcast_in_dim3A_222 : vector<1x256xi1>, vector<1x256xi32>
      %swap3A_224 = arith.index_cast %add3A_198 : i32 to index
      %swap3A_225 = arith.constant 0 : index
      %swap3A_226 = vector.load %arg5[%swap3A_224, %swap3A_225] : memref<128x256xi32, #tpu.memory_space<vmem>>, vector<1x256xi32>
      tpu.vector_store %arg5[%swap3A_224, %swap3A_225], %select_n3A_223 {strides = array<i32>} : memref<128x256xi32, #tpu.memory_space<vmem>>, vector<1x256xi32>,
      %mul3A_227 = arith.constant 8 : i32
      %mul3A_228 = arith.muli %scan3A_40, %mul3A_227 : i32
      %add3A_229 = arith.constant 6 : i32
      %add3A_230 = arith.addi %mul3A_228, %add3A_229 : i32
      %get3A_231 = arith.index_cast %add3A_230 : i32 to index
      %get3A_232 = arith.constant 0 : index
      %get3A_233 = vector.load %arg3[%get3A_231, %get3A_232] : memref<128x256xf32, #tpu.memory_space<vmem>>, vector<1x256xf32>
      %sub3A_234 = vector.broadcast %get3A_233 : vector<1x256xf32> to vector<128x256xf32>
      %sub3A_235 = arith.subf %get3A_15, %sub3A_234 : vector<128x256xf32>
      %abs3A_236 = math.absf %sub3A_235 : vector<128x256xf32>
      %reduce_min3A_237 = arith.constant dense<0x7F800000> : vector<256xf32>
      %reduce_min3A_238 = vector.multi_reduction <minimumf>, %abs3A_236, %reduce_min3A_237 [0] : vector<128x256xf32> to vector<256xf32>
      %broadcast_in_dim3A_239 = vector.shape_cast %reduce_min3A_238 : vector<256xf32> to vector<1x256xf32>
      %eq3A_240 = vector.broadcast %broadcast_in_dim3A_239 : vector<1x256xf32> to vector<128x256xf32>
      %eq3A_241 = arith.cmpf oeq, %abs3A_236, %eq3A_240 : vector<128x256xf32>
      %jit3A_242 = arith.constant 128 : i32
      %broadcast_in_dim3A_243 = vector.broadcast %jit3A_242 : i32 to vector<128x256xi32>
      %select_n3A_244 = arith.select %eq3A_241, %iota3A, %broadcast_in_dim3A_243 : vector<128x256xi1>, vector<128x256xi32>
      %reduce_min3A_245 = arith.constant dense<2147483647> : vector<256xi32>
      %reduce_min3A_246 = vector.multi_reduction <minsi>, %select_n3A_244, %reduce_min3A_245 [0] : vector<128x256xi32> to vector<256xi32>
      %broadcast_in_dim3A_247 = vector.shape_cast %reduce_min3A_246 : vector<256xi32> to vector<1x256xi32>
      %broadcast_in_dim3A_248 = vector.broadcast %add3A_230 : i32 to vector<1x256xi32>
      %select_n3A_249 = arith.select %broadcast_in_dim3A_28, %broadcast_in_dim3A_247, %broadcast_in_dim3A_248 : vector<1x256xi1>, vector<1x256xi32>
      %ne3A_250 = arith.constant 0.000000e+00 : f32
      %ne3A_251 = vector.broadcast %ne3A_250 : f32 to vector<1x256xf32>
      %ne3A_252 = arith.cmpf one, %get3A_233, %ne3A_251 : vector<1x256xf32>
      %jit3A_253 = arith.constant -1 : i32
      %broadcast_in_dim3A_254 = vector.broadcast %jit3A_253 : i32 to vector<1x256xi32>
      %select_n3A_255 = arith.select %ne3A_252, %select_n3A_249, %broadcast_in_dim3A_254 : vector<1x256xi1>, vector<1x256xi32>
      %swap3A_256 = arith.index_cast %add3A_230 : i32 to index
      %swap3A_257 = arith.constant 0 : index
      %swap3A_258 = vector.load %arg5[%swap3A_256, %swap3A_257] : memref<128x256xi32, #tpu.memory_space<vmem>>, vector<1x256xi32>
      tpu.vector_store %arg5[%swap3A_256, %swap3A_257], %select_n3A_255 {strides = array<i32>} : memref<128x256xi32, #tpu.memory_space<vmem>>, vector<1x256xi32>,
      %mul3A_259 = arith.constant 8 : i32
      %mul3A_260 = arith.muli %scan3A_40, %mul3A_259 : i32
      %add3A_261 = arith.constant 7 : i32
      %add3A_262 = arith.addi %mul3A_260, %add3A_261 : i32
      %get3A_263 = arith.index_cast %add3A_262 : i32 to index
      %get3A_264 = arith.constant 0 : index
      %get3A_265 = vector.load %arg3[%get3A_263, %get3A_264] : memref<128x256xf32, #tpu.memory_space<vmem>>, vector<1x256xf32>
      %sub3A_266 = vector.broadcast %get3A_265 : vector<1x256xf32> to vector<128x256xf32>
      %sub3A_267 = arith.subf %get3A_15, %sub3A_266 : vector<128x256xf32>
      %abs3A_268 = math.absf %sub3A_267 : vector<128x256xf32>
      %reduce_min3A_269 = arith.constant dense<0x7F800000> : vector<256xf32>
      %reduce_min3A_270 = vector.multi_reduction <minimumf>, %abs3A_268, %reduce_min3A_269 [0] : vector<128x256xf32> to vector<256xf32>
      %broadcast_in_dim3A_271 = vector.shape_cast %reduce_min3A_270 : vector<256xf32> to vector<1x256xf32>
      %eq3A_272 = vector.broadcast %broadcast_in_dim3A_271 : vector<1x256xf32> to vector<128x256xf32>
      %eq3A_273 = arith.cmpf oeq, %abs3A_268, %eq3A_272 : vector<128x256xf32>
      %jit3A_274 = arith.constant 128 : i32
      %broadcast_in_dim3A_275 = vector.broadcast %jit3A_274 : i32 to vector<128x256xi32>
      %select_n3A_276 = arith.select %eq3A_273, %iota3A, %broadcast_in_dim3A_275 : vector<128x256xi1>, vector<128x256xi32>
      %reduce_min3A_277 = arith.constant dense<2147483647> : vector<256xi32>
      %reduce_min3A_278 = vector.multi_reduction <minsi>, %select_n3A_276, %reduce_min3A_277 [0] : vector<128x256xi32> to vector<256xi32>
      %broadcast_in_dim3A_279 = vector.shape_cast %reduce_min3A_278 : vector<256xi32> to vector<1x256xi32>
      %broadcast_in_dim3A_280 = vector.broadcast %add3A_262 : i32 to vector<1x256xi32>
      %select_n3A_281 = arith.select %broadcast_in_dim3A_28, %broadcast_in_dim3A_279, %broadcast_in_dim3A_280 : vector<1x256xi1>, vector<1x256xi32>
      %ne3A_282 = arith.constant 0.000000e+00 : f32
      %ne3A_283 = vector.broadcast %ne3A_282 : f32 to vector<1x256xf32>
      %ne3A_284 = arith.cmpf one, %get3A_265, %ne3A_283 : vector<1x256xf32>
      %jit3A_285 = arith.constant -1 : i32
      %broadcast_in_dim3A_286 = vector.broadcast %jit3A_285 : i32 to vector<1x256xi32>
      %select_n3A_287 = arith.select %ne3A_284, %select_n3A_281, %broadcast_in_dim3A_286 : vector<1x256xi1>, vector<1x256xi32>
      %swap3A_288 = arith.index_cast %add3A_262 : i32 to index
      %swap3A_289 = arith.constant 0 : index
      %swap3A_290 = vector.load %arg5[%swap3A_288, %swap3A_289] : memref<128x256xi32, #tpu.memory_space<vmem>>, vector<1x256xi32>
      tpu.vector_store %arg5[%swap3A_288, %swap3A_289], %select_n3A_287 {strides = array<i32>} : memref<128x256xi32, #tpu.memory_space<vmem>>, vector<1x256xi32>,
    }
    %scan3A_32 = arith.constant 16 : i32
    %get3A_33 = arith.constant 0 : index
    %get3A_34 = arith.constant 0 : index
    %get3A_35 = vector.load %arg5[%get3A_33, %get3A_34] : memref<128x256xi32, #tpu.memory_space<vmem>>, vector<128x256xi32>
    %transpose3A_36 = tpu.transpose %get3A_35, [1, 0] : vector<128x256xi32> -> vector<256x128xi32>
    %swap3A_37 = arith.constant 0 : index
    %swap3A_38 = arith.constant 0 : index
    %swap3A_39 = vector.load %arg2[%swap3A_37, %swap3A_38] : memref<256x128xi32, #tpu.memory_space<vmem>>, vector<256x128xi32>
    tpu.vector_store %arg2[%swap3A_37, %swap3A_38], %transpose3A_36 {strides = array<i32>} : memref<256x128xi32, #tpu.memory_space<vmem>>, vector<256x128xi32>,
    return
  }
}

</mosaic_0001>

<sc_bundles>
// kernel: kernel.4.cloned.1.call-start
scs
__scs_entry_jumppad:
0x0: {  	(pc) =	sbr.rel $0x88, $3  }
0x1: {  	(tag) =	ssettag $0x0;
	lr =	simm.s32 $0x1  }
0x2: {  	[smem:$0x3F9F] =	sst lr;
	_ =	strace $0xD0000000  }
0x3: {  	_ = 	snop  }
0x4: {  	_ = 	snop  }
0x5: {  	_ = 	snop  }
0x6: {  	_ = 	snop  }
0x7: {  	_ = 	snop  }
__scs_overlays_trampoline_lowered:
0x8: {  	[smem:$0x3FAE] =	sst s0  }
0x9: {  	[smem:$0x3FAF] =	sst s1  }
0xa: {  	[smem:$0x3FB0] =	sst s2  }
0xb: {  	[smem:$0x3FB1] =	sst s3  }
0xc: {  	[smem:$0x3FB2] =	sst s4  }
0xd: {  	[smem:$0x3FB3] =	sst s5  }
0xe: {  	[smem:$0x3FB4] =	sst s6  }
0xf: {  	[smem:$0x3FB5] =	sst s7  }
0x10: {  	[smem:$0x3FB6] =	sst s8  }
0x11: {  	[smem:$0x3FB7] =	sst s9;
	s0 =	simm.s32 @!p0 $0x0  }
0x12: {  	s1 =	sld [smem:$0x3F9D];
	s0 =	simm.s32 @p0 $0x1  }
0x13: {  	[smem:$0x3FB8] =	sst s0;
	s0 =	simm.s32 @!p1 $0x0  }
0x14: {  	s2 =	sld [smem:$0x3F9C];
	s0 =	simm.s32 @p1 $0x1  }
0x15: {  	[smem:$0x3FB9] =	sst s0;
	s0 =	simm.s32 @!p2 $0x0  }
0x16: {  	s3 =	sld [smem:$0x3FDB];
	s0 =	simm.s32 @p2 $0x1  }
0x17: {  	s4 =	simm.s32 $0x1BF5;
	[smem:$0x3FBB] =	sst s0  }
0x18: {  	s0 =	sld [smem:$0x3F9E];
	_ =	swait.ge [sflag:s4], $0x0  }
0x19: {  	s7 =	sld [smem:$0x3F9F]  }
0x1a: {  	s8 =	sadd.s32 $0xFFFFE003, lr  }
0x1b: {  	s9 =	sadd.s32 $0xFFFFFEF7, lr;
	s5 =	simm.s32 $0xFFFFFFFF;
	p2 =	slt.u32 s8, $0xFFFFF086  }
0x1c: {  	p1 =	slt.u32 s9, $0xF7A;
	s5 =	simm.s32 @!p2 $0x0  }
0x1d: {  	s5 =	simm.s32 @p1 $0x1;
	p0 =	seq.s32 s7, s2  }
0x1e: {  	s7 =	smul.u32 @!p0 $0xF7A, s2;
	p2 =	seq.s32 @!p0 s5, $0x0  }
0x1f: {  	s9 =	smul.u32 $0xF7A, s1;
	s8 =	simm.s32 @!p0 $0x1BF5;
	p2 =	por !p2, p0  }
0x20: {  	[sflag:s8] =	ssyncset.s32 @!p0 $0xFFFFF086;
	s6 =	sadd.s32 @!p0 s3, s7;
	s7 =	simm.s32 @!p0 $0x108  }
0x21: {  	s3 =	sadd.s32 s3, s9;
	s6 =	sadd.s32 @!p0 $0x88, s6;
	s7 =	simm.s32 @p2 $0x1082  }
0x22: {  	[simem:s7], [sflag:s8] =	dma.local @!p0 [hbm:s6], $0xF7A  }
0x23: {  	s9 =	sor.u32 $0xD0000000, s2;
	s6 =	simm.s32 $0x108;
	_ =	swait.ge @!p0 [sflag:s8], $0x0  }
0x24: {  	s3 =	sadd.s32 $0x88, s3;
	s6 =	simm.s32 @!p1 $0x1082;
	[sflag:s4] =	ssyncset.s32 $0xFFFFF086  }
0x25: {  	[simem:s6], [sflag:s4] =	dma.local [hbm:s3], $0xF7A  }
0x26: {  	[smem:$0x3F9F] =	sst s1;
	(tag) =	ssettag s2;
	_ =	strace s9  }
0x27: {  	s1 =	sld [smem:$0x3FAF]  }
0x28: {  	s2 =	sld [smem:$0x3FB0]  }
0x29: {  	s4 =	sld [smem:$0x3FB2]  }
0x2a: {  	p0 =	seq.s32 s5, $0x0;
	s5 =	sld [smem:$0x3FB3]  }
0x2b: {  	s6 =	sld [smem:$0x3FB4]  }
0x2c: {  	s7 =	sld [smem:$0x3FB5]  }
0x2d: {  	s3 =	simm.s32 $0x108;
	s8 =	sld [smem:$0x3FB6]  }
0x2e: {  	s3 =	simm.s32 @!p0 $0x1082;
	s9 =	sld [smem:$0x3FB7]  }
0x2f: {  	lr =	sadd.s32 s0, s3;
	s0 =	sld [smem:$0x3FAE]  }
0x30: {  	s3 =	sld [smem:$0x3FB1]  }
0x31: {  	[smem:$0x3FBA] =	sst s10  }
0x32: {  	s10 =	sld [smem:$0x3FB8];
	_ =	sdelay $0x3  }
0x33: {  	p0 =	seq.s32 s10, $0x1;
	s10 =	sld [smem:$0x3FBA];
	_ =	sdelay $0x3  }
0x34: {  	[smem:$0x3FBA] =	sst s10  }
0x35: {  	s10 =	sld [smem:$0x3FB9];
	_ =	sdelay $0x3  }
0x36: {  	p1 =	seq.s32 s10, $0x1;
	s10 =	sld [smem:$0x3FBA];
	_ =	sdelay $0x3  }
0x37: {  	[smem:$0x3FBA] =	sst s10  }
0x38: {  	s10 =	sld [smem:$0x3FBB]  }
0x39: {  	_ = 	snop;
	(pc) =	sbr.ind lr, $3  }
0x3a: {  	_ = 	snop  }
0x3b: {  	_ = 	snop  }
0x3c: {  	p2 =	seq.s32 s10, $0x1;
	s10 =	sld [smem:$0x3FBA]  }
0x3d: {  	_ =	shalt  }
0x3e: {  	_ =	shalt  }
0x3f: {  	_ =	shalt  }
0x40: {  	_ =	shalt  }
0x41: {  	_ =	shalt  }
0x42: {  	_ =	shalt  }
0x43: {  	_ =	shalt  }
0x44: {  	_ =	shalt  }
0x45: {  	_ =	shalt  }
0x46: {  	_ =	shalt  }
0x47: {  	_ =	shalt  }
0x48: {  	_ =	shalt  }
0x49: {  	_ =	shalt  }
0x4a: {  	_ =	shalt  }
0x4b: {  	_ =	shalt  }
0x4c: {  	_ =	shalt  }
0x4d: {  	_ =	shalt  }
0x4e: {  	_ =	shalt  }
0x4f: {  	_ =	shalt  }
0x50: {  	_ =	shalt  }
0x51: {  	_ =	shalt  }
0x52: {  	_ =	shalt  }
0x53: {  	_ =	shalt  }
0x54: {  	_ =	shalt  }
0x55: {  	_ =	shalt  }
0x56: {  	_ =	shalt  }
0x57: {  	_ =	shalt  }
0x58: {  	_ =	shalt  }
0x59: {  	_ =	shalt  }
0x5a: {  	_ =	shalt  }
0x5b: {  	_ =	shalt  }
0x5c: {  	_ =	shalt  }
0x5d: {  	_ =	shalt  }
0x5e: {  	_ =	shalt  }
0x5f: {  	_ =	shalt  }
0x60: {  	_ =	shalt  }
0x61: {  	_ =	shalt  }
0x62: {  	_ =	shalt  }
0x63: {  	_ =	shalt  }
0x64: {  	_ =	shalt  }
0x65: {  	_ =	shalt  }
0x66: {  	_ =	shalt  }
0x67: {  	_ =	shalt  }
0x68: {  	_ =	shalt  }
0x69: {  	_ =	shalt  }
0x6a: {  	_ =	shalt  }
0x6b: {  	_ =	shalt  }
0x6c: {  	_ =	shalt  }
0x6d: {  	_ =	shalt  }
0x6e: {  	_ =	shalt  }
0x6f: {  	_ =	shalt  }
0x70: {  	_ =	shalt  }
0x71: {  	_ =	shalt  }
0x72: {  	_ =	shalt  }
0x73: {  	_ =	shalt  }
0x74: {  	_ =	shalt  }
0x75: {  	_ =	shalt  }
0x76: {  	_ =	shalt  }
0x77: {  	_ =	shalt  }
0x78: {  	_ =	shalt  }
0x79: {  	_ =	shalt  }
0x7a: {  	_ =	shalt  }
0x7b: {  	_ =	shalt  }
0x7c: {  	_ =	shalt  }
0x7d: {  	_ =	shalt  }
0x7e: {  	_ =	shalt  }
0x7f: {  	_ =	shalt  }
0x80: {  	_ =	shalt  }
0x81: {  	_ =	shalt  }
0x82: {  	_ =	shalt  }
0x83: {  	_ =	shalt  }
0x84: {  	_ =	shalt  }
0x85: {  	_ =	shalt  }
0x86: {  	_ =	shalt  }
0x87: {  	_ =	shalt  }
.Lfunc_end0:
.L_simem_size_0:
called_computation_lowered:
.L_overlay_start_0:
0x88: {  	s2 =	sld [smem:$0x3FD9]  }
0x89: {  	s3 =	sld [smem:$0x3FFE];
	_ =	sdelay $0x1  }
0x8a: {  	s1 =	srdreg.scid  }
0x8b: {  	s0 =	sand.u32 $0x1, s1  }
0x8c: {  	s17 =	sshll.u32 s0, $0xA;
	s2 =	sadd.s32 s3, s2  }
0x8d: {  	s2 =	sadd.s32 s2, s17  }
0x8e: {  	[smem:$0x3FC6] =	sst s2  }
0x8f: {  	_ = 	snop  }
0x90: {  	s2 =	sld [smem:$0x3FC9]  }
0x91: {  	s18 =	sld [smem:$0x3FD0];
	(tm) =	ssettm $0x1  }
0x92: {  	s4 =	sld [smem:$0x3FFB];
	_ =	sdelay $0x3  }
0x93: {  	_ =	strace s4  }
0x94: {  	s4 =	sld [smem:$0x3FFC];
	_ =	sdelay $0x3  }
0x95: {  	_ =	strace s4  }
0x96: {  	s4 =	sld [smem:$0x3FFD];
	_ =	sdelay $0x3  }
0x97: {  	_ =	strace s4  }
0x98: {  	_ =	strace $0x8FFFFFFF  }
0x99: {  	s19 =	sld [smem:$0x3FDB];
	_ =	sdelay $0x1  }
0x9a: {  	s5 =	simm.s32 $_scs_section_size  }
0x9b: {  	s6 =	simm.s32 $_size__tile_overlayer_lowered;
	s7 =	simm.s32 $_tile_overlayer_lowered  }
0x9c: {  	s22 =	simm.s32 $0x1BFF;
	s21 =	sshll.u32 s7, $0x1;
	s4 =	sadd.s32 s5, s19  }
0x9d: {  	s8 =	simm.s32 $0x0;
	s20 =	sshll.u32 s6, $0x1;
	s6 =	sadd.s32 s21, s4  }
0x9e: {  	[timem:s8], [sflag:s22] =	dma.local [hbm:s6], s20  }
0x9f: {  	_ =	swait.ge [sflag:s22], s20  }
0xa0: {  	s5 =	ssub.s32 $0x0, s20;
	[sflag:s22] =	ssyncset.done $0x0  }
0xa1: {  	[sflag:s22] =	ssyncadd.s32 s5;
	_ =	sdelay $0x1  }
0xa2: {  	s23 =	simm.s32 $0x1B8B  }
0xa3: {  	_ =	swait.ge [sflag:s23], $0x1  }
0xa4: {  	[sflag:s23] =	ssyncset.done $0x0  }
0xa5: {  	s25 =	simm.s32 $0x1B8E;
	s24 =	sld [smem:$0x3FFE];
	[sflag:s23] =	ssyncadd.s32 $0xFFFFFFFF  }
0xa6: {  	s26 =	simm.s32 $execute0_lowered;
	[smem:$0x3FD2] =	sst s25  }
0xa7: {  	s6 =	sshll.u32 s26, $0x1;
	_ =	strace $0x80000046;
	[dreg:$0x1] =	wrdreg $0xFFFFFFFF  }
0xa8: {  	s28 =	simm.s32 $_size_execute0_lowered;
	s4 =	sadd.s32 s4, s6;
	[dreg:$0x0] =	wrdreg $0x0  }
0xa9: {  	s6 =	sshll.u32 s28, $0x1;
	[dreg:$0x2] =	wrdreg s4  }
0xaa: {  	[dreg:$0x3] =	wrdreg s6  }
0xab: {  	[dreg:$0x4] =	wrdreg $0xC0  }
0xac: {  	_ =	task [dreg:s8], $0x5FFFF  }
0xad: {  	[dreg:$0x1] =	wrdreg $0xFFFFFFFF  }
0xae: {  	[dreg:$0x0] =	wrdreg $0x60  }
0xaf: {  	[dreg:$0x2] =	wrdreg s18  }
0xb0: {  	[dreg:$0x3] =	wrdreg s2  }
0xb1: {  	[dreg:$0x4] =	wrdreg s24  }
0xb2: {  	[dreg:$0x5] =	wrdreg $0x9  }
0xb3: {  	_ =	task.clear_ibuf [dreg:s8], $0x6FFFF;
	_ =	strace $0x90000046  }
0xb4: {  	s29 =	simm.s32 $0x9;
	_ =	strace $0x80000048  }
0xb5: {  	_ =	swait.ge [sflag:s29], $0x1  }
0xb6: {  	[sflag:s29] =	ssyncadd.s32 $0xFFFFFFFF  }
0xb7: {  	_ =	strace $0x90000048  }
0xb8: {  	_ =	sfence  }
0xb9: {  	s30 =	sld [smem:$0x0];
	_ =	sdelay $0x2  }
0xba: {  	s31 =	sshll.u32 s1, $0xD;
	s1 =	sshrl.u32 s1, $0x2  }
0xbb: {  	s3 =	sand.u32 $0x4000, s31;
	s1 =	sadd.s32 s1, s30  }
0xbc: {  	s0 =	sor.u32 s3, s0;
	s1 =	sshll.u32 s1, $0x11  }
0xbd: {  	s0 =	sor.u32 s1, s0  }
0xbe: {  	s0 =	sadd.s32 $0x8F2B, s0  }
0xbf: {  	[sflag:s0] =	ssyncadd.remote.s32 $0x1  }
0xc0: {  	_ =	sfence.sel $0xFFFF  }
0xc1: {  	[dreg:$0x0] =	wrdreg $0xFFFFFFFF;
	(pc) =	sbr.abs _section_cstart, $3  }
0xc2: {  	[dreg:$0x1] =	wrdreg $0xFFFFFFFF  }
0xc3: {  	_ =	task.clear_ibuf [dreg:s8], $0x2FFFF;
	_ =	strace $0x9FFFFFFF  }
0xc4: {  	(tm) =	ssettm $0x7FFFFFFF  }
0xc5: {  	_ =	shalt  }
tec
execute0_lowered:
.L_overlay_start_1:
0x0: {  	(tag) =	ssettag $0x1  }
0x1: {  	s1 =	stileid.u32  }
0x2: {  	p0 =	sgt.u32 s1, $0x7  }
.Ltmp0:
0x3: {  	s5 =	rddreg [dreg:$0x0];
	(pc) =	sbr.rel @p0 .LBB2_5-.Ltmp0, $4  }
0x4: {  	s3 =	rddreg [dreg:$0x1]  }
0x5: {  	s4 =	rddreg [dreg:$0x2];
	s2 =	simm.s32 $0x0  }
0x6: {  	[smem:$0x7FF] =	sst s2  }
0x7: {  	s0 =	rddreg [dreg:$0x3];
	_ =	strace $0x80000047  }
0x8: {  	s6 =	srdreg.scid  }
0x9: {  	s6 =	sand.u32 $0x1, s6  }
0xa: {  	s7 =	sshll.u32 s1, $0x9;
	s9 =	simm.s32 $0x1000;
	s8 =	sshll.u32 s6, $0x8  }
0xb: {  	s10 =	simm.s32 $0x0;
	s6 =	ssub.s32 $0x2, s6;
	s7 =	sor.u32 s8, s7  }
0xc: {  	v1 =	vlaneseq.u32;
	s31 =	sshrl.u32 s6, $0x1;
	s8 =	simm.s32 $0x800;
	s4 =	sadd.s32 s7, s4  }
0xd: {  	v0 =	vimm.f32 $0.0e+00;
	v2 =	vimm.s32 $0xFFFFFFFF;
	v3 =	vimm.s32 $0x1;
	s3 =	sadd.s32 s3, s7;
	s6 =	ssub.s32 s6, s31;
	s5 =	sadd.s32 s5, s7  }
0xe: {  	v4 =	vimm.s32 $0xFFFFFFE1;
	v5 =	vimm.s32 $0xFFFFFF81;
	v1 =	vmul.u32 $0x80, v1;
	s7 =	simm.s32 $0x1;
	s4 =	sadd.s32 $0xA00, s4;
	s6 =	smax.u32 s6, $0x1  }
.LBB2_2:
0xf: {  	s11 =	simm.s32 $0x0  }
0x10: {  	[tilespmem:s11], [sflag:$0x1] =	stream.linear.gather [hbm4b:s5+s11], $0x800, $0x38;
	[tilespmem:$0x1800] =	vst v63  }
0x11: {  	_ =	swait.ge [sflag:s7], $0x800  }
0x12: {  	[sflag:s7] =	ssyncset.done $0x0  }
0x13: {  	[sflag:s7] =	ssyncadd.s32 $0xFFFFF800  }
0x14: {  	[tilespmem:s8], [sflag:$0x1] =	stream.linear.gather [hbm4b:s3+s11], $0x800, $0x38;
	[tilespmem:$0x1800] =	vst v63  }
0x15: {  	_ =	swait.ge [sflag:s7], $0x800  }
0x16: {  	[sflag:s7] =	ssyncset.done $0x0  }
0x17: {  	[sflag:s7] =	ssyncadd.s32 $0xFFFFF800  }
0x18: {  	[tilespmem:$0x1000] =	vst v0  }
0x19: {  	[tilespmem:$0x1010] =	vst v0  }
0x1a: {  	[tilespmem:$0x1020] =	vst v0  }
0x1b: {  	[tilespmem:$0x1030] =	vst v0  }
0x1c: {  	[tilespmem:$0x1040] =	vst v0  }
0x1d: {  	[tilespmem:$0x1050] =	vst v0  }
0x1e: {  	[tilespmem:$0x1060] =	vst v0  }
0x1f: {  	[tilespmem:$0x1070] =	vst v0  }
0x20: {  	[tilespmem:$0x1080] =	vst v0  }
0x21: {  	[tilespmem:$0x1090] =	vst v0  }
0x22: {  	[tilespmem:$0x10A0] =	vst v0  }
0x23: {  	[tilespmem:$0x10B0] =	vst v0  }
0x24: {  	[tilespmem:$0x10C0] =	vst v0  }
0x25: {  	[tilespmem:$0x10D0] =	vst v0  }
0x26: {  	[tilespmem:$0x10E0] =	vst v0  }
0x27: {  	[tilespmem:$0x10F0] =	vst v0  }
0x28: {  	[tilespmem:$0x1100] =	vst v0  }
0x29: {  	[tilespmem:$0x1110] =	vst v0  }
0x2a: {  	[tilespmem:$0x1120] =	vst v0  }
0x2b: {  	[tilespmem:$0x1130] =	vst v0  }
0x2c: {  	[tilespmem:$0x1140] =	vst v0  }
0x2d: {  	[tilespmem:$0x1150] =	vst v0  }
0x2e: {  	[tilespmem:$0x1160] =	vst v0  }
0x2f: {  	[tilespmem:$0x1170] =	vst v0  }
0x30: {  	[tilespmem:$0x1180] =	vst v0  }
0x31: {  	[tilespmem:$0x1190] =	vst v0  }
0x32: {  	[tilespmem:$0x11A0] =	vst v0  }
0x33: {  	[tilespmem:$0x11B0] =	vst v0  }
0x34: {  	[tilespmem:$0x11C0] =	vst v0  }
0x35: {  	[tilespmem:$0x11D0] =	vst v0  }
0x36: {  	[tilespmem:$0x11E0] =	vst v0  }
0x37: {  	[tilespmem:$0x11F0] =	vst v0  }
0x38: {  	[tilespmem:$0x1200] =	vst v0  }
0x39: {  	[tilespmem:$0x1210] =	vst v0  }
0x3a: {  	[tilespmem:$0x1220] =	vst v0  }
0x3b: {  	[tilespmem:$0x1230] =	vst v0  }
0x3c: {  	[tilespmem:$0x1240] =	vst v0  }
0x3d: {  	[tilespmem:$0x1250] =	vst v0  }
0x3e: {  	[tilespmem:$0x1260] =	vst v0  }
0x3f: {  	[tilespmem:$0x1270] =	vst v0  }
0x40: {  	[tilespmem:$0x1280] =	vst v0  }
0x41: {  	[tilespmem:$0x1290] =	vst v0  }
0x42: {  	[tilespmem:$0x12A0] =	vst v0  }
0x43: {  	[tilespmem:$0x12B0] =	vst v0  }
0x44: {  	[tilespmem:$0x12C0] =	vst v0  }
0x45: {  	[tilespmem:$0x12D0] =	vst v0  }
0x46: {  	[tilespmem:$0x12E0] =	vst v0  }
0x47: {  	[tilespmem:$0x12F0] =	vst v0  }
0x48: {  	[tilespmem:$0x1300] =	vst v0  }
0x49: {  	[tilespmem:$0x1310] =	vst v0  }
0x4a: {  	[tilespmem:$0x1320] =	vst v0  }
0x4b: {  	[tilespmem:$0x1330] =	vst v0  }
0x4c: {  	[tilespmem:$0x1340] =	vst v0  }
0x4d: {  	[tilespmem:$0x1350] =	vst v0  }
0x4e: {  	[tilespmem:$0x1360] =	vst v0  }
0x4f: {  	[tilespmem:$0x1370] =	vst v0  }
0x50: {  	[tilespmem:$0x1380] =	vst v0  }
0x51: {  	[tilespmem:$0x1390] =	vst v0  }
0x52: {  	[tilespmem:$0x13A0] =	vst v0  }
0x53: {  	[tilespmem:$0x13B0] =	vst v0  }
0x54: {  	[tilespmem:$0x13C0] =	vst v0  }
0x55: {  	[tilespmem:$0x13D0] =	vst v0  }
0x56: {  	[tilespmem:$0x13E0] =	vst v0  }
0x57: {  	[tilespmem:$0x13F0] =	vst v0  }
0x58: {  	[tilespmem:$0x1400] =	vst v0  }
0x59: {  	[tilespmem:$0x1410] =	vst v0  }
0x5a: {  	[tilespmem:$0x1420] =	vst v0  }
0x5b: {  	[tilespmem:$0x1430] =	vst v0  }
0x5c: {  	[tilespmem:$0x1440] =	vst v0  }
0x5d: {  	[tilespmem:$0x1450] =	vst v0  }
0x5e: {  	[tilespmem:$0x1460] =	vst v0  }
0x5f: {  	[tilespmem:$0x1470] =	vst v0  }
0x60: {  	[tilespmem:$0x1480] =	vst v0  }
0x61: {  	[tilespmem:$0x1490] =	vst v0  }
0x62: {  	[tilespmem:$0x14A0] =	vst v0  }
0x63: {  	[tilespmem:$0x14B0] =	vst v0  }
0x64: {  	[tilespmem:$0x14C0] =	vst v0  }
0x65: {  	[tilespmem:$0x14D0] =	vst v0  }
0x66: {  	[tilespmem:$0x14E0] =	vst v0  }
0x67: {  	[tilespmem:$0x14F0] =	vst v0  }
0x68: {  	[tilespmem:$0x1500] =	vst v0  }
0x69: {  	[tilespmem:$0x1510] =	vst v0  }
0x6a: {  	[tilespmem:$0x1520] =	vst v0  }
0x6b: {  	[tilespmem:$0x1530] =	vst v0  }
0x6c: {  	[tilespmem:$0x1540] =	vst v0  }
0x6d: {  	[tilespmem:$0x1550] =	vst v0  }
0x6e: {  	[tilespmem:$0x1560] =	vst v0  }
0x6f: {  	[tilespmem:$0x1570] =	vst v0  }
0x70: {  	[tilespmem:$0x1580] =	vst v0  }
0x71: {  	[tilespmem:$0x1590] =	vst v0  }
0x72: {  	[tilespmem:$0x15A0] =	vst v0  }
0x73: {  	[tilespmem:$0x15B0] =	vst v0  }
0x74: {  	[tilespmem:$0x15C0] =	vst v0  }
0x75: {  	[tilespmem:$0x15D0] =	vst v0  }
0x76: {  	[tilespmem:$0x15E0] =	vst v0  }
0x77: {  	[tilespmem:$0x15F0] =	vst v0  }
0x78: {  	[tilespmem:$0x1600] =	vst v0  }
0x79: {  	[tilespmem:$0x1610] =	vst v0  }
0x7a: {  	[tilespmem:$0x1620] =	vst v0  }
0x7b: {  	[tilespmem:$0x1630] =	vst v0  }
0x7c: {  	[tilespmem:$0x1640] =	vst v0  }
0x7d: {  	[tilespmem:$0x1650] =	vst v0  }
0x7e: {  	[tilespmem:$0x1660] =	vst v0  }
0x7f: {  	[tilespmem:$0x1670] =	vst v0  }
0x80: {  	[tilespmem:$0x1680] =	vst v0  }
0x81: {  	[tilespmem:$0x1690] =	vst v0  }
0x82: {  	[tilespmem:$0x16A0] =	vst v0  }
0x83: {  	[tilespmem:$0x16B0] =	vst v0  }
0x84: {  	[tilespmem:$0x16C0] =	vst v0  }
0x85: {  	[tilespmem:$0x16D0] =	vst v0  }
0x86: {  	[tilespmem:$0x16E0] =	vst v0  }
0x87: {  	[tilespmem:$0x16F0] =	vst v0  }
0x88: {  	[tilespmem:$0x1700] =	vst v0  }
0x89: {  	[tilespmem:$0x1710] =	vst v0  }
0x8a: {  	[tilespmem:$0x1720] =	vst v0  }
0x8b: {  	[tilespmem:$0x1730] =	vst v0  }
0x8c: {  	[tilespmem:$0x1740] =	vst v0  }
0x8d: {  	[tilespmem:$0x1750] =	vst v0  }
0x8e: {  	[tilespmem:$0x1760] =	vst v0  }
0x8f: {  	v6 =	vmov s11;
	[tilespmem:$0x1770] =	vst v0  }
0x90: {  	v6 =	vand.u32 $0x7F, v6;
	[tilespmem:$0x1780] =	vst v0  }
0x91: {  	v6 =	vbroadcast v6, $0x0;
	[tilespmem:$0x1790] =	vst v0  }
0x92: {  	[tilespmem:$0x17A0] =	vst v0  }
0x93: {  	v8 =	vor.u32 v1, v6;
	[tilespmem:$0x17B0] =	vst v0  }
0x94: {  	[tilespmem:$0x17C0] =	vst v0  }
0x95: {  	[tilespmem:$0x17D0] =	vst v0  }
0x96: {  	[tilespmem:$0x17E0] =	vst v0  }
0x97: {  	[tilespmem:$0x17F0] =	vst v0  }
0x98: {  	v7 =	vld.idx.msk [tilespmem:v8+s2+$0x0], $0xffff;
	_ =	sdelay $0x4  }
0x99: {  	v6 =	vshra.s32 v7, $0x5;
	v9 =	vshra.s32 v7, $0x1F;
	v10 =	vand.u32 $0x1F, v7  }
0x9a: {  	vm3 =	vlt.s32 v6, $0x3;
	vm5 =	vlt.s32 v6, $0x1;
	vm6 =	veq.s32 v6, $0x3  }
0x9b: {  	vm4 =	vlt.s32 v6, $0x2;
	vm0 =	vgt.s32 v6, $0x3;
	v11 =	vxor.u32 $0x1F, v10  }
0x9c: {  	vm7 =	veq.s32 v6, $0x2;
	vm1 =	vgt.s32 v6, $0x2;
	vm2 =	vgt.s32 v6, $0x0  }
0x9d: {  	vm8 =	vgt.s32 v6, $0x1;
	vm9 =	veq.s32 v6, $0x1;
	v11 =	vshrl.u32 v2, v11  }
0x9e: {  	vm10 =	veq.s32 v6, $0x0;
	v10 =	vshll.u32 v2, v10;
	v6 =	vnsel vm6, $0x0, v11  }
0x9f: {  	v12 =	vnsel vm10, $0x0, v11;
	v13 =	vnsel vm9, $0x0, v11;
	v11 =	vnsel vm7, $0x0, v11  }
0xa0: {  	v12 =	vsel vm2, $0xFFFFFFFF, v12;
	v13 =	vsel vm8, $0xFFFFFFFF, v13;
	v6 =	vsel vm0, $0xFFFFFFFF, v6  }
0xa1: {  	v11 =	vsel vm1, $0xFFFFFFFF, v11;
	v12 =	vand.u32 v2, v12;
	v13 =	vand.u32 v2, v13  }
0xa2: {  	v11 =	vand.u32 v2, v11;
	v14 =	vmax.u32 v12, $0x1;
	vm0 =	veq.s32 v13, $0x0  }
0xa3: {  	v6 =	vand.u32 v2, v6;
	vm1 =	veq.s32 v11, $0x0;
	v13 =	vsel vm0, v14, v13  }
0xa4: {  	vm2 =	veq.s32 v6, $0x0;
	v14 =	vnsel vm10, $0x0, v10;
	v11 =	vsel vm1, v13, v11  }
0xa5: {  	v13 =	vnsel vm9, $0x0, v10;
	v9 =	vor.u32 v14, v9;
	v6 =	vsel vm2, v11, v6  }
0xa6: {  	v11 =	vnsel vm6, $0x0, v10;
	v10 =	vnsel vm7, $0x0, v10;
	v13 =	vsel vm5, $0xFFFFFFFF, v13  }
0xa7: {  	v9 =	vand.u32 v2, v9;
	v15 =	vshrl.u32 v6, $0x1;
	v11 =	vsel vm3, $0xFFFFFFFF, v11  }
0xa8: {  	v10 =	vsel vm4, $0xFFFFFFFF, v10;
	v13 =	vand.u32 v2, v13;
	v6 =	vor.u32 v6, v15  }
0xa9: {  	v11 =	vand.u32 v2, v11;
	v10 =	vand.u32 v2, v10;
	v14 =	vshrl.u32 v6, $0x2  }
0xaa: {  	v15 =	vmax.u32 v11, $0x1;
	vm3 =	veq.s32 v10, $0x0;
	v6 =	vor.u32 v6, v14  }
0xab: {  	vm12 =	veq.s32 v13, $0x0;
	v10 =	vsel vm3, v15, v10;
	v14 =	vshrl.u32 v6, $0x4  }
0xac: {  	vm13 =	veq.s32 v9, $0x0;
	v10 =	vsel vm12, v10, v13;
	v6 =	vor.u32 v6, v14  }
0xad: {  	v9 =	vsel vm13, v10, v9;
	v14 =	vshrl.u32 v6, $0x8  }
0xae: {  	vm14 =	veq.s32 v11, $0x0;
	v11 =	vsub.s32 $0x0, v9;
	v6 =	vor.u32 v6, v14  }
0xaf: {  	v9 =	vand.u32 v11, v9;
	v10 =	vshrl.u32 v6, $0x10  }
0xb0: {  	v9 =	vcvt.s32.f32 v9;
	v6 =	vor.u32 v6, v10  }
0xb1: {  	vm15 =	veq.s32 v12, $0x0;
	v13 =	vsel vm14, $0x1, v4;
	v10 =	vshrl.u32 v6, $0x1  }
0xb2: {  	v11 =	vnsel vm3, $0xFFFFFFC1, v13;
	v9 =	vshrl.u32 v9, $0x17;
	v6 =	vxor.u32 v6, v10  }
0xb3: {  	v10 =	vnsel vm12, $0xFFFFFFA1, v11;
	v11 =	vsel vm15, $0xFFFFFF01, v5;
	v6 =	vcvt.s32.f32 v6  }
0xb4: {  	v9 =	vand.u32 $0xFF, v9;
	v11 =	vnsel vm0, $0xFFFFFFA1, v11  }
0xb5: {  	v10 =	vnsel vm13, $0xFFFFFF81, v10;
	v11 =	vnsel vm1, $0xFFFFFFC1, v11;
	v6 =	vshrl.u32 v6, $0x17  }
0xb6: {  	v9 =	vadd.s32 v9, v10;
	v10 =	vnsel vm2, $0xFFFFFFE1, v11;
	v6 =	vand.u32 $0xFF, v6  }
0xb7: {  	vm0 =	vlt.s32 v9, $0x80;
	v6 =	vadd.s32 v6, v10  }
0xb8: {  	v10 =	vsub.s32 v9, v7;
	vm1 =	vgt.s32 v6, $0xFFFFFFFF;
	v11 =	vsub.s32 v7, v6  }
0xb9: {  	v10 =	vnsel vm0, $0x100000, v10;
	v11 =	vnsel vm1, $0x100000, v11  }
0xba: {  	s31 =	simm.s32 $0x1;
	vm0 =	vgt.s32 v10, v11  }
0xbb: {  	v10 =	vmov s31;
	v6 =	vsel vm0, v6, v9  }
0xbc: {  	v9 =	vand.u32 $0x7F, v10;
	vm0 =	vgt.s32 v6, $0x0  }
0xbd: {  	v12 =	vld.idx.msk [tilespmem:v8+s8+$0x0], $0xffff;
	v8 =	vimm.s32 $0xFFFFFFFF;
	v9 =	vbroadcast v9, $0x0;
	v6 =	vnsel vm0, $0x0, v6  }
0xbe: {  	vm0 =	vgt.s32 v7, $0xFFFFFFFF;
	v7 =	vimm.s32 $0xFFFFFFFF;
	v10 =	vmin.u32 v6, $0x7F  }
0xbf: {  	v6 =	vor.u32 v1, v9;
	v9 =	vimm.s32 $0xFFFFFFFF;
	v11 =	vor.u32 v1, v10  }
0xc0: {  	s11 =	simm.s32 $0x2;
	v13 =	vshrl.u32 v10, $0x5;
	v14 =	vand.u32 $0x1F, v10;
	v10 =	vimm.s32 $0xFFFFFFFF  }
.LBB2_3:
0xc1: {  	p0 =	sne.s32 s11, $0x7F;
	v14 =	vshll.u32 v3, v14;
	vm1 =	veq.s32 v13, $0x0;
	vm2 =	veq.s32 v13, $0x1  }
0xc2: {  	vm3 =	veq.s32 v13, $0x2;
	vm4 =	veq.s32 v13, $0x3;
	v14 =	vxor.u32 $0xFFFFFFFF, v14  }
0xc3: {  	v13 =	vnsel vm0, $0xFFFFFFFF, v14  }
0xc4: {  	v14 =	vnsel vm1, $0xFFFFFFFF, v13;
	v15 =	vnsel vm2, $0xFFFFFFFF, v13;
	v16 =	vnsel vm3, $0xFFFFFFFF, v13  }
0xc5: {  	[tilespmem:v11+s9+$0x0] =	vst.idx.msk vm0, v12;
	v7 =	vand.u32 v7, v14;
	v10 =	vand.u32 v10, v15;
	v12 =	vnsel vm4, $0xFFFFFFFF, v13  }
0xc6: {  	v8 =	vand.u32 v8, v16;
	v11 =	vld.idx.msk [tilespmem:v6+s2+$0x0], $0xffff;
	v9 =	vand.u32 v9, v12;
	_ =	sdelay $0x5  }
0xc7: {  	v12 =	vshra.s32 v11, $0x5;
	v13 =	vshra.s32 v11, $0x1F  }
0xc8: {  	v14 =	vand.u32 $0x1F, v11;
	vm3 =	vlt.s32 v12, $0x3;
	vm5 =	vlt.s32 v12, $0x1  }
0xc9: {  	vm6 =	veq.s32 v12, $0x3;
	vm4 =	vlt.s32 v12, $0x2;
	vm0 =	vgt.s32 v12, $0x3  }
0xca: {  	v15 =	vxor.u32 $0x1F, v14;
	vm7 =	veq.s32 v12, $0x2;
	vm1 =	vgt.s32 v12, $0x2  }
0xcb: {  	vm2 =	vgt.s32 v12, $0x0;
	vm8 =	vgt.s32 v12, $0x1;
	v15 =	vshrl.u32 v2, v15  }
0xcc: {  	vm9 =	veq.s32 v12, $0x1;
	vm10 =	veq.s32 v12, $0x0;
	v12 =	vnsel vm6, $0x0, v15  }
0xcd: {  	v16 =	vnsel vm10, $0x0, v15;
	v17 =	vnsel vm9, $0x0, v15;
	v15 =	vnsel vm7, $0x0, v15  }
0xce: {  	v16 =	vsel vm2, $0xFFFFFFFF, v16;
	v17 =	vsel vm8, $0xFFFFFFFF, v17;
	v12 =	vsel vm0, $0xFFFFFFFF, v12  }
0xcf: {  	v15 =	vsel vm1, $0xFFFFFFFF, v15;
	v16 =	vand.u32 v7, v16;
	v17 =	vand.u32 v10, v17  }
0xd0: {  	v15 =	vand.u32 v8, v15;
	v18 =	vmax.u32 v16, $0x1;
	vm0 =	veq.s32 v17, $0x0  }
0xd1: {  	v12 =	vand.u32 v9, v12;
	vm1 =	veq.s32 v15, $0x0;
	v17 =	vsel vm0, v18, v17  }
0xd2: {  	v14 =	vshll.u32 v2, v14;
	vm2 =	veq.s32 v12, $0x0;
	v15 =	vsel vm1, v17, v15  }
0xd3: {  	v18 =	vnsel vm10, $0x0, v14;
	v17 =	vnsel vm9, $0x0, v14;
	v12 =	vsel vm2, v15, v12  }
0xd4: {  	v15 =	vnsel vm6, $0x0, v14;
	v14 =	vnsel vm7, $0x0, v14;
	v19 =	vshrl.u32 v12, $0x1  }
0xd5: {  	v13 =	vor.u32 v18, v13;
	v17 =	vsel vm5, $0xFFFFFFFF, v17;
	v12 =	vor.u32 v12, v19  }
0xd6: {  	v15 =	vsel vm3, $0xFFFFFFFF, v15;
	v14 =	vsel vm4, $0xFFFFFFFF, v14;
	v18 =	vshrl.u32 v12, $0x2  }
0xd7: {  	v13 =	vand.u32 v7, v13;
	v17 =	vand.u32 v10, v17;
	v12 =	vor.u32 v12, v18  }
0xd8: {  	v15 =	vand.u32 v9, v15;
	v14 =	vand.u32 v8, v14;
	v18 =	vshrl.u32 v12, $0x4  }
0xd9: {  	v19 =	vmax.u32 v15, $0x1;
	vm3 =	veq.s32 v14, $0x0;
	v12 =	vor.u32 v12, v18  }
0xda: {  	vm4 =	veq.s32 v17, $0x0;
	v14 =	vsel vm3, v19, v14;
	v18 =	vshrl.u32 v12, $0x8  }
0xdb: {  	vm5 =	veq.s32 v13, $0x0;
	v14 =	vsel vm4, v14, v17;
	v12 =	vor.u32 v12, v18  }
0xdc: {  	vm6 =	veq.s32 v15, $0x0;
	v13 =	vsel vm5, v14, v13;
	v14 =	vshrl.u32 v12, $0x10  }
0xdd: {  	v17 =	vsel vm6, $0x1, v4;
	v15 =	vsub.s32 $0x0, v13;
	v12 =	vor.u32 v12, v14  }
0xde: {  	vm6 =	veq.s32 v16, $0x0;
	v13 =	vand.u32 v15, v13;
	v14 =	vshrl.u32 v12, $0x1  }
0xdf: {  	v15 =	vnsel vm3, $0xFFFFFFC1, v17;
	v13 =	vcvt.s32.f32 v13;
	v12 =	vxor.u32 v12, v14  }
0xe0: {  	v14 =	vnsel vm4, $0xFFFFFFA1, v15;
	v15 =	vsel vm6, $0xFFFFFF01, v5;
	v12 =	vcvt.s32.f32 v12  }
0xe1: {  	v13 =	vshrl.u32 v13, $0x17;
	v14 =	vnsel vm5, $0xFFFFFF81, v14;
	v15 =	vnsel vm0, $0xFFFFFFA1, v15  }
0xe2: {  	v13 =	vand.u32 $0xFF, v13;
	v15 =	vnsel vm1, $0xFFFFFFC1, v15;
	v12 =	vshrl.u32 v12, $0x17  }
0xe3: {  	v13 =	vadd.s32 v13, v14;
	v14 =	vnsel vm2, $0xFFFFFFE1, v15;
	v12 =	vand.u32 $0xFF, v12  }
0xe4: {  	vm0 =	vlt.s32 v13, $0x80;
	v12 =	vadd.s32 v12, v14  }
0xe5: {  	v14 =	vsub.s32 v13, v11;
	vm1 =	vgt.s32 v12, $0xFFFFFFFF;
	v15 =	vsub.s32 v11, v12  }
0xe6: {  	v14 =	vnsel vm0, $0x100000, v14;
	v15 =	vnsel vm1, $0x100000, v15  }
0xe7: {  	v16 =	vmov s11;
	vm0 =	vgt.s32 v14, v15  }
.Ltmp1:
0xe8: {  	v14 =	vand.u32 $0x7F, v16;
	v12 =	vsel vm0, v12, v13;
	(pc) =	sbr.rel @p0 .LBB2_3-.Ltmp1, $4  }
0xe9: {  	v13 =	vbroadcast v14, $0x0;
	vm0 =	vgt.s32 v12, $0x0  }
0xea: {  	v14 =	vnsel vm0, $0x0, v12  }
0xeb: {  	vm0 =	vgt.s32 v11, $0xFFFFFFFF;
	v14 =	vmin.u32 v14, $0x7F;
	v12 =	vld.idx.msk [tilespmem:v6+s8+$0x0], $0xffff;
	v6 =	vor.u32 v1, v13  }
0xec: {  	s11 =	sadd.s32 $0x1, s11;
	v11 =	vor.u32 v1, v14;
	v13 =	vshrl.u32 v14, $0x5;
	v14 =	vand.u32 $0x1F, v14  }
0xed: {  	_ =	sdelay $0x4  }
0xee: {  	v14 =	vshll.u32 v3, v14;
	[tilespmem:v11+s9+$0x0] =	vst.idx.msk vm0, v12  }
0xef: {  	v39 =	vxor.u32 $0xFFFFFFFF, v14;
	v12 =	vld.idx.msk [tilespmem:v6+s2+$0x0], $0xffff  }
0xf0: {  	vm1 =	veq.s32 v13, $0x0;
	vm2 =	veq.s32 v13, $0x1;
	v11 =	vnsel vm0, $0xFFFFFFFF, v39  }
0xf1: {  	vm13 =	veq.s32 v13, $0x2;
	vm3 =	veq.s32 v13, $0x3;
	v40 =	vnsel vm1, $0xFFFFFFFF, v11  }
0xf2: {  	v41 =	vnsel vm2, $0xFFFFFFFF, v11;
	v15 =	vnsel vm13, $0xFFFFFFFF, v11;
	v11 =	vnsel vm3, $0xFFFFFFFF, v11  }
0xf3: {  	v7 =	vand.u32 v7, v40;
	v10 =	vand.u32 v10, v41;
	v8 =	vand.u32 v8, v15  }
0xf4: {  	v9 =	vand.u32 v9, v11;
	v42 =	vshra.s32 v12, $0x5;
	v43 =	vshra.s32 v12, $0x1F  }
0xf5: {  	v44 =	vand.u32 $0x1F, v12;
	vm3 =	vlt.s32 v42, $0x3;
	vm5 =	vlt.s32 v42, $0x1  }
0xf6: {  	vm6 =	veq.s32 v42, $0x3;
	vm4 =	vlt.s32 v42, $0x2;
	vm14 =	vgt.s32 v42, $0x3  }
0xf7: {  	v45 =	vxor.u32 $0x1F, v44;
	vm7 =	veq.s32 v42, $0x2;
	vm15 =	vgt.s32 v42, $0x2  }
0xf8: {  	vm12 =	vgt.s32 v42, $0x0;
	vm8 =	vgt.s32 v42, $0x1;
	v15 =	vshrl.u32 v2, v45  }
0xf9: {  	vm9 =	veq.s32 v42, $0x1;
	vm10 =	veq.s32 v42, $0x0;
	v46 =	vnsel vm6, $0x0, v15  }
0xfa: {  	v16 =	vnsel vm10, $0x0, v15;
	v17 =	vnsel vm9, $0x0, v15;
	v15 =	vnsel vm7, $0x0, v15  }
0xfb: {  	v16 =	vsel vm12, $0xFFFFFFFF, v16;
	v17 =	vsel vm8, $0xFFFFFFFF, v17;
	v11 =	vsel vm14, $0xFFFFFFFF, v46  }
0xfc: {  	v15 =	vsel vm15, $0xFFFFFFFF, v15;
	v16 =	vand.u32 v7, v16;
	v17 =	vand.u32 v10, v17  }
0xfd: {  	v15 =	vand.u32 v8, v15;
	v18 =	vmax.u32 v16, $0x1;
	vm0 =	veq.s32 v17, $0x0  }
0xfe: {  	v11 =	vand.u32 v9, v11;
	vm13 =	veq.s32 v15, $0x0;
	v17 =	vsel vm0, v18, v17  }
0xff: {  	v14 =	vshll.u32 v2, v44;
	vm14 =	veq.s32 v11, $0x0;
	v15 =	vsel vm13, v17, v15  }
0x100: {  	v47 =	vnsel vm9, $0x0, v14;
	v48 =	vnsel vm10, $0x0, v14;
	v11 =	vsel vm14, v15, v11  }
0x101: {  	v49 =	vnsel vm6, $0x0, v14;
	v14 =	vnsel vm7, $0x0, v14;
	v19 =	vshrl.u32 v11, $0x1  }
0x102: {  	v13 =	vor.u32 v48, v43;
	v14 =	vsel vm4, $0xFFFFFFFF, v14;
	v11 =	vor.u32 v11, v19  }
0x103: {  	v7 =	vand.u32 v7, v13;
	v8 =	vand.u32 v8, v14;
	v50 =	vshrl.u32 v11, $0x2  }
0x104: {  	vm15 =	veq.s32 v8, $0x0;
	v15 =	vsel vm3, $0xFFFFFFFF, v49;
	v11 =	vor.u32 v11, v50  }
0x105: {  	v17 =	vsel vm5, $0xFFFFFFFF, v47;
	v9 =	vand.u32 v9, v15;
	v51 =	vshrl.u32 v11, $0x4  }
0x106: {  	v10 =	vand.u32 v10, v17;
	v52 =	vmax.u32 v9, $0x1;
	v11 =	vor.u32 v11, v51  }
0x107: {  	vm9 =	veq.s32 v10, $0x0;
	v8 =	vsel vm15, v52, v8;
	v13 =	vshrl.u32 v11, $0x8  }
0x108: {  	vm10 =	veq.s32 v7, $0x0;
	v8 =	vsel vm9, v8, v10;
	v53 =	vor.u32 v11, v13  }
0x109: {  	vm12 =	veq.s32 v16, $0x0;
	v7 =	vsel vm10, v8, v7;
	v54 =	vshrl.u32 v53, $0x10  }
0x10a: {  	v60 =	vsel vm12, $0xFFFFFF01, v5;
	v55 =	vsub.s32 $0x0, v7;
	v8 =	vor.u32 v53, v54  }
0x10b: {  	vm11 =	veq.s32 v9, $0x0;
	v7 =	vand.u32 v55, v7;
	v57 =	vshrl.u32 v8, $0x1  }
0x10c: {  	v56 =	vsel vm11, $0x1, v4;
	v7 =	vcvt.s32.f32 v7;
	v8 =	vxor.u32 v8, v57  }
0x10d: {  	v58 =	vnsel vm15, $0xFFFFFFC1, v56;
	v10 =	vnsel vm0, $0xFFFFFFA1, v60;
	v8 =	vcvt.s32.f32 v8  }
0x10e: {  	v59 =	vnsel vm9, $0xFFFFFFA1, v58;
	v10 =	vnsel vm13, $0xFFFFFFC1, v10;
	v7 =	vshrl.u32 v7, $0x17  }
0x10f: {  	v9 =	vnsel vm10, $0xFFFFFF81, v59;
	v7 =	vand.u32 $0xFF, v7;
	v8 =	vshrl.u32 v8, $0x17  }
0x110: {  	v61 =	vnsel vm14, $0xFFFFFFE1, v10;
	v7 =	vadd.s32 v7, v9;
	v8 =	vand.u32 $0xFF, v8  }
0x111: {  	vm13 =	vlt.s32 v7, $0x80;
	v8 =	vadd.s32 v8, v61  }
0x112: {  	v62 =	vsub.s32 v7, v12;
	vm14 =	vgt.s32 v8, $0xFFFFFFFF;
	v63 =	vsub.s32 v12, v8  }
0x113: {  	v9 =	vnsel vm13, $0x100000, v62;
	v10 =	vnsel vm14, $0x100000, v63  }
0x114: {  	vm0 =	vgt.s32 v9, v10  }
0x115: {  	v7 =	vsel vm0, v8, v7  }
0x116: {  	vm0 =	vgt.s32 v7, $0x0  }
0x117: {  	v7 =	vnsel vm0, $0x0, v7  }
0x118: {  	vm15 =	vgt.s32 v12, $0xFFFFFFFF;
	v7 =	vmin.u32 v7, $0x7F  }
0x119: {  	v6 =	vld.idx.msk [tilespmem:v6+s8+$0x0], $0xffff;
	v7 =	vor.u32 v1, v7;
	_ =	sdelay $0x2  }
0x11a: {  	s10 =	sadd.s32 $0x1, s10  }
0x11b: {  	p0 =	sne.s32 s10, s6  }
.Ltmp2:
0x11c: {  	[tilespmem:v7+s9+$0x0] =	vst.idx.msk vm15, v6;
	(pc) =	sbr.rel @p0 .LBB2_2-.Ltmp2, $4  }
0x11d: {  	[hbm4b:s4+s2] =	stream.linear.scatter [tilespmem:s9], [sflag:$0x1], $0x800, $0x38;
	[tilespmem:$0x1800] =	vst v63  }
0x11e: {  	_ =	swait.ge [sflag:s7], $0x800  }
0x11f: {  	[sflag:s7] =	ssyncset.done $0x0  }
0x120: {  	[sflag:s7] =	ssyncadd.s32 $0xFFFFF800  }
.LBB2_5:
0x121: {  	_ =	sfence.sel $0x180000  }
0x122: {  	[bflag:$0x0] =	sbarrier.arrive $0xFFFF  }
0x123: {  	p0 =	sne.s32 s1, $0x0;
	_ =	strace $0x90000047  }
0x124: {  	s0 =	sadd.s32 @!p0 $0x100000, s0;
	[bflag:$0x2] =	sbarrier.arrive $0xFFFF  }
0x125: {  	[sflag:s0] =	ssyncadd.tile.s32 @!p0 $0x1;
	_ =	shalt  }
.Lfunc_end2:
_tile_overlayer_lowered:
.L_overlay_start_2:
0x126: {  	(tag) =	ssettag $0x2  }
0x127: {  	s0 =	rddreg [dreg:$0x0];
	s2 =	stileid.u32  }
0x128: {  	s1 =	rddreg [dreg:$0x1];
	p0 =	sne.s32 s2, $0x0  }
0x129: {  	s3 =	rddreg [dreg:$0x2];
	[bflag:$0x3] =	sbarrier.arrive $0xFFFF;
	s2 =	simm.s32 @!p0 $0x1C01  }
0x12a: {  	[timem:s3], [sflag:s2] =	dma.local @!p0 [hbm:s0], s1  }
0x12b: {  	s0 =	simm.s32 @!p0 $0x1  }
0x12c: {  	_ =	swait.ge @!p0 [sflag:s0], s1  }
0x12d: {  	s1 =	ssub.s32 @!p0 $0x0, s1;
	[sflag:s0] =	ssyncset.done @!p0 $0x0  }
0x12e: {  	[sflag:s0] =	ssyncadd.s32 @!p0 s1  }
0x12f: {  	[bflag:$0x3] =	sbarrier.arrive $0xFFFF  }
0x130: {  	_ =	shalt  }

</sc_bundles>
